<compile_context>
chip_gen: v7x
topology: tpu7x:2x2x1
jax: 0.10.2.dev20260603
libtpu: 0.0.44.dev20260713+nightly
codegen_flags: <defaults>
</compile_context>

<pallas_src>
import functools

import jax
import jax.numpy as jnp
from jax import lax
from jax.experimental import pallas as pl
from jax.experimental.pallas import tpu as pltpu
from jax.experimental.pallas import tpu_sc as plsc

N_NODES = 50000
N_EDGES = 800000
IN_FEATS = 3
H_FEATS = 150
NUM_OUT = 16

NC = 2
NS = 16
L = 16
NW = NC * NS
CH = 128
NCH = 200
EPW = CH * NCH
E_PAD = EPW * NW
N_TILE_ROWS = 3136
N_PAD = N_TILE_ROWS * NS
ZCH = N_TILE_ROWS // 2

ROWS_B = 1000
GRID = N_NODES // ROWS_B


def _edge_pass(table, src, dst):
    mesh = plsc.VectorSubcoreMesh(core_axis_name="c", subcore_axis_name="s")

    @functools.partial(
        pl.kernel,
        mesh=mesh,
        compiler_params=pltpu.CompilerParams(use_tc_tiling_on_sc=False),
        out_type=jax.ShapeDtypeStruct((NC, N_PAD, L), jnp.float32),
        scratch_types=[
            pltpu.VMEM((NCH, CH), jnp.int32),
            pltpu.VMEM((NCH, CH), jnp.int32),
            pltpu.VMEM((CH, L), jnp.float32),
            pltpu.VMEM((ZCH, L), jnp.float32),
            pltpu.VMEM_SHARED((N_PAD, L), jnp.float32),
            pltpu.SemaphoreType.DMA,
        ],
    )
    def k(table_hbm, src_hbm, dst_hbm, out_hbm,
          src_v, dst_v, rows_v, stage_v, acc_sh, sem):
        c = lax.axis_index("c")
        s = lax.axis_index("s")
        w = c * NS + s

        pltpu.sync_copy(src_hbm.at[w], src_v)
        pltpu.sync_copy(dst_hbm.at[w], dst_v)

        def zrow(i, carry):
            stage_v[i, :] = jnp.zeros((L,), jnp.float32)
            return carry

        lax.fori_loop(0, ZCH, zrow, 0)
        base = s * N_TILE_ROWS
        pltpu.sync_copy(stage_v, acc_sh.at[pl.ds(base, ZCH)])
        pltpu.sync_copy(stage_v, acc_sh.at[pl.ds(base + ZCH, ZCH)])
        plsc.subcore_barrier()

        def body(j, carry):
            pltpu.async_copy(table_hbm.at[src_v.at[j]], rows_v, sem).wait()
            pltpu.sync_copy(rows_v, acc_sh.at[dst_v.at[j]], add=True)
            return carry

        lax.fori_loop(0, NCH, body, 0)
        plsc.subcore_barrier()

        pltpu.sync_copy(acc_sh.at[pl.ds(base, ZCH)], stage_v)
        pltpu.sync_copy(stage_v, out_hbm.at[c, pl.ds(base, ZCH)])
        pltpu.sync_copy(acc_sh.at[pl.ds(base + ZCH, ZCH)], stage_v)
        pltpu.sync_copy(stage_v, out_hbm.at[c, pl.ds(base + ZCH, ZCH)])

    return k(table, src, dst)


def _mid_body(p_ref, x_ref, w1s_ref, w1n_ref, b1_ref, w2n_ref,
              h_ref, hw_ref, dinv_ref):
    agg = p_ref[0] + p_ref[1]
    dinv = 1.0 / jnp.maximum(agg[:, 3:4], 1.0)
    hn = agg[:, 0:3] * dinv
    h = (jnp.dot(x_ref[...], w1s_ref[...], preferred_element_type=jnp.float32)
         + jnp.dot(hn, w1n_ref[...], preferred_element_type=jnp.float32)
         + b1_ref[...])
    h = jnp.maximum(h, 0.0)
    h_ref[...] = h
    hw_ref[...] = jnp.dot(h, w2n_ref[...], preferred_element_type=jnp.float32)
    dinv_ref[...] = dinv


def _dense_mid(p, x, w1s, w1n, b1, w2n):
    return pl.pallas_call(
        _mid_body,
        grid=(GRID,),
        in_specs=[
            pl.BlockSpec((NC, ROWS_B, L), lambda i: (0, i, 0)),
            pl.BlockSpec((ROWS_B, IN_FEATS), lambda i: (i, 0)),
            pl.BlockSpec((IN_FEATS, H_FEATS), lambda i: (0, 0)),
            pl.BlockSpec((IN_FEATS, H_FEATS), lambda i: (0, 0)),
            pl.BlockSpec((1, H_FEATS), lambda i: (0, 0)),
            pl.BlockSpec((H_FEATS, NUM_OUT), lambda i: (0, 0)),
        ],
        out_specs=[
            pl.BlockSpec((ROWS_B, H_FEATS), lambda i: (i, 0)),
            pl.BlockSpec((ROWS_B, NUM_OUT), lambda i: (i, 0)),
            pl.BlockSpec((ROWS_B, 1), lambda i: (i, 0)),
        ],
        out_shape=[
            jax.ShapeDtypeStruct((N_NODES, H_FEATS), jnp.float32),
            jax.ShapeDtypeStruct((N_NODES, NUM_OUT), jnp.float32),
            jax.ShapeDtypeStruct((N_NODES, 1), jnp.float32),
        ],
    )(p, x, w1s, w1n, b1, w2n)


def _out_body(h_ref, q_ref, dinv_ref, w2s_ref, b2_ref, o_ref):
    agg2 = q_ref[0] + q_ref[1]
    o_ref[...] = (
        jnp.dot(h_ref[...], w2s_ref[...], preferred_element_type=jnp.float32)
        + agg2 * dinv_ref[...]
        + b2_ref[...])


def _dense_out(h, q, dinv, w2s, b2):
    return pl.pallas_call(
        _out_body,
        grid=(GRID,),
        in_specs=[
            pl.BlockSpec((ROWS_B, H_FEATS), lambda i: (i, 0)),
            pl.BlockSpec((NC, ROWS_B, L), lambda i: (0, i, 0)),
            pl.BlockSpec((ROWS_B, 1), lambda i: (i, 0)),
            pl.BlockSpec((H_FEATS, NUM_OUT), lambda i: (0, 0)),
            pl.BlockSpec((1, NUM_OUT), lambda i: (0, 0)),
        ],
        out_specs=pl.BlockSpec((ROWS_B, NUM_OUT), lambda i: (i, 0)),
        out_shape=jax.ShapeDtypeStruct((N_NODES, NUM_OUT), jnp.float32),
    )(h, q, dinv, w2s, b2)


def kernel(in_feat, edge_index, W1_self, W1_neigh, b1, W2_self, W2_neigh, b2):
    src = edge_index[0].astype(jnp.int32)
    dst = edge_index[1].astype(jnp.int32)
    pad = E_PAD - N_EDGES
    src_p = jnp.concatenate(
        [src, jnp.zeros((pad,), jnp.int32)]).reshape(NW, NCH, CH)
    dst_p = jnp.concatenate(
        [dst, jnp.full((pad,), N_NODES, jnp.int32)]).reshape(NW, NCH, CH)

    table1 = jnp.concatenate(
        [in_feat,
         jnp.ones((N_NODES, 1), jnp.float32),
         jnp.zeros((N_NODES, L - IN_FEATS - 1), jnp.float32)], axis=1)

    p1 = _edge_pass(table1, src_p, dst_p)[:, :N_NODES, :]
    h, hw, dinv = _dense_mid(p1, in_feat, W1_self, W1_neigh,
                             b1.reshape(1, -1), W2_neigh)
    p2 = _edge_pass(hw, src_p, dst_p)[:, :N_NODES, :]
    return _dense_out(h, p2, dinv, W2_self, b2.reshape(1, -1))

# --- scband reference (transcript-rebuilt; emitter-appended) ---
"""Pipeline reference for scband-graph-sage-2456721293647 (READ-ONLY COPY).

The authoritative reference and input builder live on the scoring server;
editing this copy changes nothing except your own understanding.
"""

import jax, jax.numpy as jnp
import numpy as np

N_NODES = 50000
N_EDGES = 800000
IN_FEATS = 3
H_FEATS = 150
NUM_OUT = 16


def _glorot(key, shape):
    fan_in, fan_out = shape[0], shape[1]
    limit = np.sqrt(6.0 / (fan_in + fan_out))
    return jax.random.uniform(key, shape, jnp.float32, -limit, limit)


def setup_inputs(seed: int = 0) -> dict:
    key = jax.random.key(seed)
    ks = jax.random.split(key, 8)
    in_feat = jax.random.normal(ks[0], (N_NODES, IN_FEATS), dtype=jnp.float32)
    edge_index = jax.random.randint(ks[1], (2, N_EDGES), 0, N_NODES, dtype=jnp.int64)
    W1_self = _glorot(ks[2], (IN_FEATS, H_FEATS))
    W1_neigh = _glorot(ks[3], (IN_FEATS, H_FEATS))
    b1 = jnp.zeros((H_FEATS,), jnp.float32)
    W2_self = _glorot(ks[4], (H_FEATS, NUM_OUT))
    W2_neigh = _glorot(ks[5], (H_FEATS, NUM_OUT))
    b2 = jnp.zeros((NUM_OUT,), jnp.float32)
    return {"in_feat": in_feat, "edge_index": edge_index,
            "W1_self": W1_self, "W1_neigh": W1_neigh, "b1": b1,
            "W2_self": W2_self, "W2_neigh": W2_neigh, "b2": b2}


def _sage_conv_mean(x, src, dst, W_self, W_neigh, b, num_nodes):
    # DGL SAGEConv with 'mean' aggregator:
    # h_neigh = mean_{u in N(v)} x_u ; out = x_v @ W_self + h_neigh @ W_neigh + b
    msg = jnp.take(x, src, axis=0)                              # gather [E, d]
    agg = jax.ops.segment_sum(msg, dst, num_segments=num_nodes)  # scatter-add
    deg = jax.ops.segment_sum(jnp.ones((src.shape[0],), jnp.float32), dst,
                              num_segments=num_nodes)
    h_neigh = agg / jnp.clip(deg, 1.0, None)[:, None]
    return x @ W_self + h_neigh @ W_neigh + b


def reference(in_feat, edge_index, W1_self, W1_neigh, b1, W2_self, W2_neigh, b2):
    src = edge_index[0]
    dst = edge_index[1]
    h = _sage_conv_mean(in_feat, src, dst, W1_self, W1_neigh, b1, N_NODES)
    h = jax.nn.relu(h)
    h = _sage_conv_mean(h, src, dst, W2_self, W2_neigh, b2, N_NODES)
    return h

if __name__ == "__main__":
    import jax
    _d = setup_inputs()
    print(jax.jit(kernel)(*tuple(_d.values())))

</pallas_src>

<mosaic_0001>
#map = affine_map<(d0, d1) -> (0, 0)>
#map1 = affine_map<(d0, d1) -> (0, 0, 0)>
module attributes {stable_mosaic.version = 14 : i64} {
  func.func @k(%arg0: i32, %arg1: i32, %arg2: memref<50000x16xf32, #tpu.memory_space<hbm>>, %arg3: memref<32x200x128xi32, #tpu.memory_space<hbm>>, %arg4: memref<32x200x128xi32, #tpu.memory_space<hbm>>, %arg5: memref<2x50176x16xf32, #tpu.memory_space<hbm>>, %arg6: memref<200x128xi32, #tpu.memory_space<vmem>>, %arg7: memref<200x128xi32, #tpu.memory_space<vmem>>, %arg8: memref<128x16xf32, #tpu.memory_space<vmem>>, %arg9: memref<1568x16xf32, #tpu.memory_space<vmem>>, %arg10: memref<50176x16xf32, #tpu.memory_space<vmem_shared>>, %arg11: memref<!tpu.dma_semaphore, #tpu.memory_space<semaphore_mem>>) attributes {dimension_semantics = [#tpu.dimension_semantics<core_parallel>, #tpu.dimension_semantics<subcore_parallel>], iteration_bounds = array<i64: 2, 16>, scalar_prefetch = 0 : i64, scratch_operands = 6 : i64, tpu.core_type = #tpu.core_type<sc_vector_subcore>, window_params = [{transform_indices = #map}, {transform_indices = #map1}, {transform_indices = #map1}, {transform_indices = #map1}]} {
    %mul3A = arith.constant 16 : i32
    %mul3A_0 = arith.muli %arg0, %mul3A : i32
    %add3A = arith.addi %mul3A_0, %arg1 : i32
    "tpu.region"() ({
      %run_scoped3A = tpu.sem_alloc : memref<!tpu.dma_semaphore, #tpu.memory_space<semaphore_mem>>
      %dma_start3A = arith.constant 0 : i32
      %dma_start3A_21 = arith.constant 0 : i32
      %dma_start3A_22 = tpu.memref_slice %arg3[%add3A, %dma_start3A, %dma_start3A_21] : memref<32x200x128xi32, #tpu.memory_space<hbm>> -> memref<1x200x128xi32, #tpu.memory_space<hbm>>
      %dma_start3A_23 = tpu.memref_squeeze %dma_start3A_22 : memref<1x200x128xi32, #tpu.memory_space<hbm>> -> memref<200x128xi32, #tpu.memory_space<hbm>>
      %dma_start3A_24 = arith.constant 0 : i32
      %dma_start3A_25 = arith.constant 0 : i32
      %dma_start3A_26 = tpu.memref_slice %arg3[%add3A, %dma_start3A_24, %dma_start3A_25] : memref<32x200x128xi32, #tpu.memory_space<hbm>> -> memref<1x200x128xi32, #tpu.memory_space<hbm>>
      %dma_start3A_27 = tpu.memref_squeeze %dma_start3A_26 : memref<1x200x128xi32, #tpu.memory_space<hbm>> -> memref<200x128xi32, #tpu.memory_space<hbm>>
      tpu.enqueue_dma source(%dma_start3A_27 : memref<200x128xi32, #tpu.memory_space<hbm>>) target(%arg6 : memref<200x128xi32, #tpu.memory_space<vmem>>) target_semaphore(%run_scoped3A : memref<!tpu.dma_semaphore, #tpu.memory_space<semaphore_mem>>)
      %dma_wait3A = arith.constant 0 : i32
      %dma_wait3A_28 = arith.constant 0 : i32
      %dma_wait3A_29 = tpu.memref_slice %arg3[%add3A, %dma_wait3A, %dma_wait3A_28] : memref<32x200x128xi32, #tpu.memory_space<hbm>> -> memref<1x200x128xi32, #tpu.memory_space<hbm>>
      %dma_wait3A_30 = tpu.memref_squeeze %dma_wait3A_29 : memref<1x200x128xi32, #tpu.memory_space<hbm>> -> memref<200x128xi32, #tpu.memory_space<hbm>>
      %dma_wait3A_31 = arith.constant 0 : i32
      %dma_wait3A_32 = arith.constant 0 : i32
      %dma_wait3A_33 = tpu.memref_slice %arg3[%add3A, %dma_wait3A_31, %dma_wait3A_32] : memref<32x200x128xi32, #tpu.memory_space<hbm>> -> memref<1x200x128xi32, #tpu.memory_space<hbm>>
      %dma_wait3A_34 = tpu.memref_squeeze %dma_wait3A_33 : memref<1x200x128xi32, #tpu.memory_space<hbm>> -> memref<200x128xi32, #tpu.memory_space<hbm>>
      tpu.wait_dma2 semaphore(%run_scoped3A : memref<!tpu.dma_semaphore, #tpu.memory_space<semaphore_mem>>) src(%dma_wait3A_34 : memref<200x128xi32, #tpu.memory_space<hbm>>) dst(%arg6 : memref<200x128xi32, #tpu.memory_space<vmem>>)
      tpu.yield
    }) : () -> ()
    "tpu.region"() ({
      %run_scoped3A = tpu.sem_alloc : memref<!tpu.dma_semaphore, #tpu.memory_space<semaphore_mem>>
      %dma_start3A = arith.constant 0 : i32
      %dma_start3A_21 = arith.constant 0 : i32
      %dma_start3A_22 = tpu.memref_slice %arg4[%add3A, %dma_start3A, %dma_start3A_21] : memref<32x200x128xi32, #tpu.memory_space<hbm>> -> memref<1x200x128xi32, #tpu.memory_space<hbm>>
      %dma_start3A_23 = tpu.memref_squeeze %dma_start3A_22 : memref<1x200x128xi32, #tpu.memory_space<hbm>> -> memref<200x128xi32, #tpu.memory_space<hbm>>
      %dma_start3A_24 = arith.constant 0 : i32
      %dma_start3A_25 = arith.constant 0 : i32
      %dma_start3A_26 = tpu.memref_slice %arg4[%add3A, %dma_start3A_24, %dma_start3A_25] : memref<32x200x128xi32, #tpu.memory_space<hbm>> -> memref<1x200x128xi32, #tpu.memory_space<hbm>>
      %dma_start3A_27 = tpu.memref_squeeze %dma_start3A_26 : memref<1x200x128xi32, #tpu.memory_space<hbm>> -> memref<200x128xi32, #tpu.memory_space<hbm>>
      tpu.enqueue_dma source(%dma_start3A_27 : memref<200x128xi32, #tpu.memory_space<hbm>>) target(%arg7 : memref<200x128xi32, #tpu.memory_space<vmem>>) target_semaphore(%run_scoped3A : memref<!tpu.dma_semaphore, #tpu.memory_space<semaphore_mem>>)
      %dma_wait3A = arith.constant 0 : i32
      %dma_wait3A_28 = arith.constant 0 : i32
      %dma_wait3A_29 = tpu.memref_slice %arg4[%add3A, %dma_wait3A, %dma_wait3A_28] : memref<32x200x128xi32, #tpu.memory_space<hbm>> -> memref<1x200x128xi32, #tpu.memory_space<hbm>>
      %dma_wait3A_30 = tpu.memref_squeeze %dma_wait3A_29 : memref<1x200x128xi32, #tpu.memory_space<hbm>> -> memref<200x128xi32, #tpu.memory_space<hbm>>
      %dma_wait3A_31 = arith.constant 0 : i32
      %dma_wait3A_32 = arith.constant 0 : i32
      %dma_wait3A_33 = tpu.memref_slice %arg4[%add3A, %dma_wait3A_31, %dma_wait3A_32] : memref<32x200x128xi32, #tpu.memory_space<hbm>> -> memref<1x200x128xi32, #tpu.memory_space<hbm>>
      %dma_wait3A_34 = tpu.memref_squeeze %dma_wait3A_33 : memref<1x200x128xi32, #tpu.memory_space<hbm>> -> memref<200x128xi32, #tpu.memory_space<hbm>>
      tpu.wait_dma2 semaphore(%run_scoped3A : memref<!tpu.dma_semaphore, #tpu.memory_space<semaphore_mem>>) src(%dma_wait3A_34 : memref<200x128xi32, #tpu.memory_space<hbm>>) dst(%arg7 : memref<200x128xi32, #tpu.memory_space<vmem>>)
      tpu.yield
    }) : () -> ()
    %scan3A = arith.constant 0 : i32
    %scan3A_1 = arith.constant 0 : i32
    %scan3A_2 = arith.constant 1568 : i32
    %scan3A_3 = arith.addi %scan3A_1, %scan3A_2 : i32
    %scan3A_4 = arith.constant 1 : i32
    scf.for %scan3A_21 = %scan3A_1 to %scan3A_3 step %scan3A_4  : i32 {
      %broadcast_in_dim3A = arith.constant 0.000000e+00 : f32
      %broadcast_in_dim3A_22 = vector.broadcast %broadcast_in_dim3A : f32 to vector<16xf32>
      %swap3A = arith.index_cast %scan3A_21 : i32 to index
      %swap3A_23 = arith.constant 0 : index
      %swap3A_24 = tpu.vector_load %arg9[%swap3A, %swap3A_23] {strides = array<i32>} : memref<1568x16xf32, #tpu.memory_space<vmem>>, vector<1x16xf32>,
      %swap3A_25 = vector.shape_cast %swap3A_24 : vector<1x16xf32> to vector<16xf32>
      %swap3A_26 = vector.shape_cast %broadcast_in_dim3A_22 : vector<16xf32> to vector<1x16xf32>
      tpu.vector_store %arg9[%swap3A, %swap3A_23], %swap3A_26 {strides = array<i32>} : memref<1568x16xf32, #tpu.memory_space<vmem>>, vector<1x16xf32>,
    }
    %scan3A_5 = arith.constant 1568 : i32
    %mul3A_6 = arith.constant 3136 : i32
    %mul3A_7 = arith.muli %arg1, %mul3A_6 : i32
    "tpu.region"() ({
      %run_scoped3A = tpu.sem_alloc : memref<!tpu.dma_semaphore, #tpu.memory_space<semaphore_mem>>
      %dma_start3A = arith.constant 0 : i32
      %dma_start3A_21 = tpu.memref_slice %arg10[%mul3A_7, %dma_start3A] : memref<50176x16xf32, #tpu.memory_space<vmem_shared>> -> memref<1568x16xf32, #tpu.memory_space<vmem_shared>>
      %dma_start3A_22 = arith.constant 0 : i32
      %dma_start3A_23 = tpu.memref_slice %arg10[%mul3A_7, %dma_start3A_22] : memref<50176x16xf32, #tpu.memory_space<vmem_shared>> -> memref<1568x16xf32, #tpu.memory_space<vmem_shared>>
      tpu.enqueue_dma source(%arg9 : memref<1568x16xf32, #tpu.memory_space<vmem>>) target(%dma_start3A_23 : memref<1568x16xf32, #tpu.memory_space<vmem_shared>>) target_semaphore(%run_scoped3A : memref<!tpu.dma_semaphore, #tpu.memory_space<semaphore_mem>>)
      %dma_wait3A = arith.constant 0 : i32
      %dma_wait3A_24 = tpu.memref_slice %arg10[%mul3A_7, %dma_wait3A] : memref<50176x16xf32, #tpu.memory_space<vmem_shared>> -> memref<1568x16xf32, #tpu.memory_space<vmem_shared>>
      %dma_wait3A_25 = arith.constant 0 : i32
      %dma_wait3A_26 = tpu.memref_slice %arg10[%mul3A_7, %dma_wait3A_25] : memref<50176x16xf32, #tpu.memory_space<vmem_shared>> -> memref<1568x16xf32, #tpu.memory_space<vmem_shared>>
      tpu.wait_dma2 semaphore(%run_scoped3A : memref<!tpu.dma_semaphore, #tpu.memory_space<semaphore_mem>>) src(%arg9 : memref<1568x16xf32, #tpu.memory_space<vmem>>) dst(%dma_wait3A_26 : memref<1568x16xf32, #tpu.memory_space<vmem_shared>>)
      tpu.yield
    }) : () -> ()
    %add3A_8 = arith.constant 1568 : i32
    %add3A_9 = arith.addi %mul3A_7, %add3A_8 : i32
    "tpu.region"() ({
      %run_scoped3A = tpu.sem_alloc : memref<!tpu.dma_semaphore, #tpu.memory_space<semaphore_mem>>
      %dma_start3A = arith.constant 0 : i32
      %dma_start3A_21 = tpu.memref_slice %arg10[%add3A_9, %dma_start3A] : memref<50176x16xf32, #tpu.memory_space<vmem_shared>> -> memref<1568x16xf32, #tpu.memory_space<vmem_shared>>
      %dma_start3A_22 = arith.constant 0 : i32
      %dma_start3A_23 = tpu.memref_slice %arg10[%add3A_9, %dma_start3A_22] : memref<50176x16xf32, #tpu.memory_space<vmem_shared>> -> memref<1568x16xf32, #tpu.memory_space<vmem_shared>>
      tpu.enqueue_dma source(%arg9 : memref<1568x16xf32, #tpu.memory_space<vmem>>) target(%dma_start3A_23 : memref<1568x16xf32, #tpu.memory_space<vmem_shared>>) target_semaphore(%run_scoped3A : memref<!tpu.dma_semaphore, #tpu.memory_space<semaphore_mem>>)
      %dma_wait3A = arith.constant 0 : i32
      %dma_wait3A_24 = tpu.memref_slice %arg10[%add3A_9, %dma_wait3A] : memref<50176x16xf32, #tpu.memory_space<vmem_shared>> -> memref<1568x16xf32, #tpu.memory_space<vmem_shared>>
      %dma_wait3A_25 = arith.constant 0 : i32
      %dma_wait3A_26 = tpu.memref_slice %arg10[%add3A_9, %dma_wait3A_25] : memref<50176x16xf32, #tpu.memory_space<vmem_shared>> -> memref<1568x16xf32, #tpu.memory_space<vmem_shared>>
      tpu.wait_dma2 semaphore(%run_scoped3A : memref<!tpu.dma_semaphore, #tpu.memory_space<semaphore_mem>>) src(%arg9 : memref<1568x16xf32, #tpu.memory_space<vmem>>) dst(%dma_wait3A_26 : memref<1568x16xf32, #tpu.memory_space<vmem_shared>>)
      tpu.yield
    }) : () -> ()
    %barrier3A = arith.constant 0 : index
    tpu.barrier barrier_id(%barrier3A)
    %scan3A_10 = arith.constant 0 : i32
    %scan3A_11 = arith.constant 0 : i32
    %scan3A_12 = arith.constant 200 : i32
    %scan3A_13 = arith.addi %scan3A_11, %scan3A_12 : i32
    %scan3A_14 = arith.constant 1 : i32
    scf.for %scan3A_21 = %scan3A_11 to %scan3A_13 step %scan3A_14  : i32 {
      %dma_start3A = arith.constant 0 : i32
      %dma_start3A_22 = tpu.memref_slice %arg6[%scan3A_21, %dma_start3A] : memref<200x128xi32, #tpu.memory_space<vmem>> -> memref<1x128xi32, #tpu.memory_space<vmem>>
      %dma_start3A_23 = tpu.memref_squeeze %dma_start3A_22 : memref<1x128xi32, #tpu.memory_space<vmem>> -> memref<128xi32, #tpu.memory_space<vmem>>
      %dma_start3A_24 = arith.constant 0 : i32
      %dma_start3A_25 = arith.constant 0 : i32
      %dma_start3A_26 = tpu.memref_slice %arg2[%dma_start3A_24, %dma_start3A_25] : memref<50000x16xf32, #tpu.memory_space<hbm>> -> memref<50000x16xf32, #tpu.memory_space<hbm>>
      tpu.enqueue_indirect_dma source(%dma_start3A_26 : memref<50000x16xf32, #tpu.memory_space<hbm>>) target(%arg8 : memref<128x16xf32, #tpu.memory_space<vmem>>) offsets(%dma_start3A_23 : memref<128xi32, #tpu.memory_space<vmem>>) semaphore(%arg11 : memref<!tpu.dma_semaphore, #tpu.memory_space<semaphore_mem>>)
      %dma_wait3A = arith.constant 0 : i32
      %dma_wait3A_27 = tpu.memref_slice %arg6[%scan3A_21, %dma_wait3A] : memref<200x128xi32, #tpu.memory_space<vmem>> -> memref<1x128xi32, #tpu.memory_space<vmem>>
      %dma_wait3A_28 = tpu.memref_squeeze %dma_wait3A_27 : memref<1x128xi32, #tpu.memory_space<vmem>> -> memref<128xi32, #tpu.memory_space<vmem>>
      %dma_wait3A_29 = arith.constant 0 : i32
      %dma_wait3A_30 = arith.constant 0 : i32
      %dma_wait3A_31 = tpu.memref_slice %arg2[%dma_wait3A_29, %dma_wait3A_30] : memref<50000x16xf32, #tpu.memory_space<hbm>> -> memref<50000x16xf32, #tpu.memory_space<hbm>>
      tpu.wait_indirect_dma semaphore(%arg11 : memref<!tpu.dma_semaphore, #tpu.memory_space<semaphore_mem>>) src(%dma_wait3A_31 : memref<50000x16xf32, #tpu.memory_space<hbm>>) dst(%arg8 : memref<128x16xf32, #tpu.memory_space<vmem>>)
      "tpu.region"() ({
        %run_scoped3A = tpu.sem_alloc : memref<!tpu.dma_semaphore, #tpu.memory_space<semaphore_mem>>
        %dma_start3A_32 = arith.constant 0 : i32
        %dma_start3A_33 = tpu.memref_slice %arg7[%scan3A_21, %dma_start3A_32] : memref<200x128xi32, #tpu.memory_space<vmem>> -> memref<1x128xi32, #tpu.memory_space<vmem>>
        %dma_start3A_34 = tpu.memref_squeeze %dma_start3A_33 : memref<1x128xi32, #tpu.memory_space<vmem>> -> memref<128xi32, #tpu.memory_space<vmem>>
        %dma_start3A_35 = arith.constant 0 : i32
        %dma_start3A_36 = arith.constant 0 : i32
        %dma_start3A_37 = tpu.memref_slice %arg10[%dma_start3A_35, %dma_start3A_36] : memref<50176x16xf32, #tpu.memory_space<vmem_shared>> -> memref<50176x16xf32, #tpu.memory_space<vmem_shared>>
        tpu.enqueue_indirect_dma source(%arg8 : memref<128x16xf32, #tpu.memory_space<vmem>>) target(%dma_start3A_37 : memref<50176x16xf32, #tpu.memory_space<vmem_shared>>) offsets(%dma_start3A_34 : memref<128xi32, #tpu.memory_space<vmem>>) semaphore(%run_scoped3A : memref<!tpu.dma_semaphore, #tpu.memory_space<semaphore_mem>>) {add = true}
        %dma_wait3A_38 = arith.constant 0 : i32
        %dma_wait3A_39 = tpu.memref_slice %arg7[%scan3A_21, %dma_wait3A_38] : memref<200x128xi32, #tpu.memory_space<vmem>> -> memref<1x128xi32, #tpu.memory_space<vmem>>
        %dma_wait3A_40 = tpu.memref_squeeze %dma_wait3A_39 : memref<1x128xi32, #tpu.memory_space<vmem>> -> memref<128xi32, #tpu.memory_space<vmem>>
        %dma_wait3A_41 = arith.constant 0 : i32
        %dma_wait3A_42 = arith.constant 0 : i32
        %dma_wait3A_43 = tpu.memref_slice %arg10[%dma_wait3A_41, %dma_wait3A_42] : memref<50176x16xf32, #tpu.memory_space<vmem_shared>> -> memref<50176x16xf32, #tpu.memory_space<vmem_shared>>
        tpu.wait_indirect_dma semaphore(%run_scoped3A : memref<!tpu.dma_semaphore, #tpu.memory_space<semaphore_mem>>) src(%arg8 : memref<128x16xf32, #tpu.memory_space<vmem>>) dst(%dma_wait3A_43 : memref<50176x16xf32, #tpu.memory_space<vmem_shared>>)
        tpu.yield
      }) : () -> ()
    }
    %scan3A_15 = arith.constant 200 : i32
    %barrier3A_16 = arith.constant 0 : index
    tpu.barrier barrier_id(%barrier3A_16)
    "tpu.region"() ({
      %run_scoped3A = tpu.sem_alloc : memref<!tpu.dma_semaphore, #tpu.memory_space<semaphore_mem>>
      %dma_start3A = arith.constant 0 : i32
      %dma_start3A_21 = tpu.memref_slice %arg10[%mul3A_7, %dma_start3A] : memref<50176x16xf32, #tpu.memory_space<vmem_shared>> -> memref<1568x16xf32, #tpu.memory_space<vmem_shared>>
      %dma_start3A_22 = arith.constant 0 : i32
      %dma_start3A_23 = tpu.memref_slice %arg10[%mul3A_7, %dma_start3A_22] : memref<50176x16xf32, #tpu.memory_space<vmem_shared>> -> memref<1568x16xf32, #tpu.memory_space<vmem_shared>>
      tpu.enqueue_dma source(%dma_start3A_23 : memref<1568x16xf32, #tpu.memory_space<vmem_shared>>) target(%arg9 : memref<1568x16xf32, #tpu.memory_space<vmem>>) target_semaphore(%run_scoped3A : memref<!tpu.dma_semaphore, #tpu.memory_space<semaphore_mem>>)
      %dma_wait3A = arith.constant 0 : i32
      %dma_wait3A_24 = tpu.memref_slice %arg10[%mul3A_7, %dma_wait3A] : memref<50176x16xf32, #tpu.memory_space<vmem_shared>> -> memref<1568x16xf32, #tpu.memory_space<vmem_shared>>
      %dma_wait3A_25 = arith.constant 0 : i32
      %dma_wait3A_26 = tpu.memref_slice %arg10[%mul3A_7, %dma_wait3A_25] : memref<50176x16xf32, #tpu.memory_space<vmem_shared>> -> memref<1568x16xf32, #tpu.memory_space<vmem_shared>>
      tpu.wait_dma2 semaphore(%run_scoped3A : memref<!tpu.dma_semaphore, #tpu.memory_space<semaphore_mem>>) src(%dma_wait3A_26 : memref<1568x16xf32, #tpu.memory_space<vmem_shared>>) dst(%arg9 : memref<1568x16xf32, #tpu.memory_space<vmem>>)
      tpu.yield
    }) : () -> ()
    "tpu.region"() ({
      %run_scoped3A = tpu.sem_alloc : memref<!tpu.dma_semaphore, #tpu.memory_space<semaphore_mem>>
      %dma_start3A = arith.constant 0 : i32
      %dma_start3A_21 = tpu.memref_slice %arg5[%arg0, %mul3A_7, %dma_start3A] : memref<2x50176x16xf32, #tpu.memory_space<hbm>> -> memref<1x1568x16xf32, #tpu.memory_space<hbm>>
      %dma_start3A_22 = tpu.memref_squeeze %dma_start3A_21 : memref<1x1568x16xf32, #tpu.memory_space<hbm>> -> memref<1568x16xf32, #tpu.memory_space<hbm>>
      %dma_start3A_23 = arith.constant 0 : i32
      %dma_start3A_24 = tpu.memref_slice %arg5[%arg0, %mul3A_7, %dma_start3A_23] : memref<2x50176x16xf32, #tpu.memory_space<hbm>> -> memref<1x1568x16xf32, #tpu.memory_space<hbm>>
      %dma_start3A_25 = tpu.memref_squeeze %dma_start3A_24 : memref<1x1568x16xf32, #tpu.memory_space<hbm>> -> memref<1568x16xf32, #tpu.memory_space<hbm>>
      tpu.enqueue_dma source(%arg9 : memref<1568x16xf32, #tpu.memory_space<vmem>>) target(%dma_start3A_25 : memref<1568x16xf32, #tpu.memory_space<hbm>>) target_semaphore(%run_scoped3A : memref<!tpu.dma_semaphore, #tpu.memory_space<semaphore_mem>>)
      %dma_wait3A = arith.constant 0 : i32
      %dma_wait3A_26 = tpu.memref_slice %arg5[%arg0, %mul3A_7, %dma_wait3A] : memref<2x50176x16xf32, #tpu.memory_space<hbm>> -> memref<1x1568x16xf32, #tpu.memory_space<hbm>>
      %dma_wait3A_27 = tpu.memref_squeeze %dma_wait3A_26 : memref<1x1568x16xf32, #tpu.memory_space<hbm>> -> memref<1568x16xf32, #tpu.memory_space<hbm>>
      %dma_wait3A_28 = arith.constant 0 : i32
      %dma_wait3A_29 = tpu.memref_slice %arg5[%arg0, %mul3A_7, %dma_wait3A_28] : memref<2x50176x16xf32, #tpu.memory_space<hbm>> -> memref<1x1568x16xf32, #tpu.memory_space<hbm>>
      %dma_wait3A_30 = tpu.memref_squeeze %dma_wait3A_29 : memref<1x1568x16xf32, #tpu.memory_space<hbm>> -> memref<1568x16xf32, #tpu.memory_space<hbm>>
      tpu.wait_dma2 semaphore(%run_scoped3A : memref<!tpu.dma_semaphore, #tpu.memory_space<semaphore_mem>>) src(%arg9 : memref<1568x16xf32, #tpu.memory_space<vmem>>) dst(%dma_wait3A_30 : memref<1568x16xf32, #tpu.memory_space<hbm>>)
      tpu.yield
    }) : () -> ()
    %add3A_17 = arith.constant 1568 : i32
    %add3A_18 = arith.addi %mul3A_7, %add3A_17 : i32
    "tpu.region"() ({
      %run_scoped3A = tpu.sem_alloc : memref<!tpu.dma_semaphore, #tpu.memory_space<semaphore_mem>>
      %dma_start3A = arith.constant 0 : i32
      %dma_start3A_21 = tpu.memref_slice %arg10[%add3A_18, %dma_start3A] : memref<50176x16xf32, #tpu.memory_space<vmem_shared>> -> memref<1568x16xf32, #tpu.memory_space<vmem_shared>>
      %dma_start3A_22 = arith.constant 0 : i32
      %dma_start3A_23 = tpu.memref_slice %arg10[%add3A_18, %dma_start3A_22] : memref<50176x16xf32, #tpu.memory_space<vmem_shared>> -> memref<1568x16xf32, #tpu.memory_space<vmem_shared>>
      tpu.enqueue_dma source(%dma_start3A_23 : memref<1568x16xf32, #tpu.memory_space<vmem_shared>>) target(%arg9 : memref<1568x16xf32, #tpu.memory_space<vmem>>) target_semaphore(%run_scoped3A : memref<!tpu.dma_semaphore, #tpu.memory_space<semaphore_mem>>)
      %dma_wait3A = arith.constant 0 : i32
      %dma_wait3A_24 = tpu.memref_slice %arg10[%add3A_18, %dma_wait3A] : memref<50176x16xf32, #tpu.memory_space<vmem_shared>> -> memref<1568x16xf32, #tpu.memory_space<vmem_shared>>
      %dma_wait3A_25 = arith.constant 0 : i32
      %dma_wait3A_26 = tpu.memref_slice %arg10[%add3A_18, %dma_wait3A_25] : memref<50176x16xf32, #tpu.memory_space<vmem_shared>> -> memref<1568x16xf32, #tpu.memory_space<vmem_shared>>
      tpu.wait_dma2 semaphore(%run_scoped3A : memref<!tpu.dma_semaphore, #tpu.memory_space<semaphore_mem>>) src(%dma_wait3A_26 : memref<1568x16xf32, #tpu.memory_space<vmem_shared>>) dst(%arg9 : memref<1568x16xf32, #tpu.memory_space<vmem>>)
      tpu.yield
    }) : () -> ()
    %add3A_19 = arith.constant 1568 : i32
    %add3A_20 = arith.addi %mul3A_7, %add3A_19 : i32
    "tpu.region"() ({
      %run_scoped3A = tpu.sem_alloc : memref<!tpu.dma_semaphore, #tpu.memory_space<semaphore_mem>>
      %dma_start3A = arith.constant 0 : i32
      %dma_start3A_21 = tpu.memref_slice %arg5[%arg0, %add3A_20, %dma_start3A] : memref<2x50176x16xf32, #tpu.memory_space<hbm>> -> memref<1x1568x16xf32, #tpu.memory_space<hbm>>
      %dma_start3A_22 = tpu.memref_squeeze %dma_start3A_21 : memref<1x1568x16xf32, #tpu.memory_space<hbm>> -> memref<1568x16xf32, #tpu.memory_space<hbm>>
      %dma_start3A_23 = arith.constant 0 : i32
      %dma_start3A_24 = tpu.memref_slice %arg5[%arg0, %add3A_20, %dma_start3A_23] : memref<2x50176x16xf32, #tpu.memory_space<hbm>> -> memref<1x1568x16xf32, #tpu.memory_space<hbm>>
      %dma_start3A_25 = tpu.memref_squeeze %dma_start3A_24 : memref<1x1568x16xf32, #tpu.memory_space<hbm>> -> memref<1568x16xf32, #tpu.memory_space<hbm>>
      tpu.enqueue_dma source(%arg9 : memref<1568x16xf32, #tpu.memory_space<vmem>>) target(%dma_start3A_25 : memref<1568x16xf32, #tpu.memory_space<hbm>>) target_semaphore(%run_scoped3A : memref<!tpu.dma_semaphore, #tpu.memory_space<semaphore_mem>>)
      %dma_wait3A = arith.constant 0 : i32
      %dma_wait3A_26 = tpu.memref_slice %arg5[%arg0, %add3A_20, %dma_wait3A] : memref<2x50176x16xf32, #tpu.memory_space<hbm>> -> memref<1x1568x16xf32, #tpu.memory_space<hbm>>
      %dma_wait3A_27 = tpu.memref_squeeze %dma_wait3A_26 : memref<1x1568x16xf32, #tpu.memory_space<hbm>> -> memref<1568x16xf32, #tpu.memory_space<hbm>>
      %dma_wait3A_28 = arith.constant 0 : i32
      %dma_wait3A_29 = tpu.memref_slice %arg5[%arg0, %add3A_20, %dma_wait3A_28] : memref<2x50176x16xf32, #tpu.memory_space<hbm>> -> memref<1x1568x16xf32, #tpu.memory_space<hbm>>
      %dma_wait3A_30 = tpu.memref_squeeze %dma_wait3A_29 : memref<1x1568x16xf32, #tpu.memory_space<hbm>> -> memref<1568x16xf32, #tpu.memory_space<hbm>>
      tpu.wait_dma2 semaphore(%run_scoped3A : memref<!tpu.dma_semaphore, #tpu.memory_space<semaphore_mem>>) src(%arg9 : memref<1568x16xf32, #tpu.memory_space<vmem>>) dst(%dma_wait3A_30 : memref<1568x16xf32, #tpu.memory_space<hbm>>)
      tpu.yield
    }) : () -> ()
    return
  }
}

#map = affine_map<(d0, d1) -> (0, 0)>
#map1 = affine_map<(d0, d1) -> (0, 0, 0)>
module attributes {stable_mosaic.version = 14 : i64} {
  func.func @k(%arg0: i32, %arg1: i32, %arg2: memref<50000x16xf32, #tpu.memory_space<hbm>>, %arg3: memref<32x200x128xi32, #tpu.memory_space<hbm>>, %arg4: memref<32x200x128xi32, #tpu.memory_space<hbm>>, %arg5: memref<2x50176x16xf32, #tpu.memory_space<hbm>>, %arg6: memref<200x128xi32, #tpu.memory_space<vmem>>, %arg7: memref<200x128xi32, #tpu.memory_space<vmem>>, %arg8: memref<128x16xf32, #tpu.memory_space<vmem>>, %arg9: memref<1568x16xf32, #tpu.memory_space<vmem>>, %arg10: memref<50176x16xf32, #tpu.memory_space<vmem_shared>>, %arg11: memref<!tpu.dma_semaphore, #tpu.memory_space<semaphore_mem>>) attributes {dimension_semantics = [#tpu.dimension_semantics<core_parallel>, #tpu.dimension_semantics<subcore_parallel>], iteration_bounds = array<i64: 2, 16>, scalar_prefetch = 0 : i64, scratch_operands = 6 : i64, tpu.core_type = #tpu.core_type<sc_vector_subcore>, window_params = [{transform_indices = #map}, {transform_indices = #map1}, {transform_indices = #map1}, {transform_indices = #map1}]} {
    %mul3A = arith.constant 16 : i32
    %mul3A_0 = arith.muli %arg0, %mul3A : i32
    %add3A = arith.addi %mul3A_0, %arg1 : i32
    "tpu.region"() ({
      %run_scoped3A = tpu.sem_alloc : memref<!tpu.dma_semaphore, #tpu.memory_space<semaphore_mem>>
      %dma_start3A = arith.constant 0 : i32
      %dma_start3A_21 = arith.constant 0 : i32
      %dma_start3A_22 = tpu.memref_slice %arg3[%add3A, %dma_start3A, %dma_start3A_21] : memref<32x200x128xi32, #tpu.memory_space<hbm>> -> memref<1x200x128xi32, #tpu.memory_space<hbm>>
      %dma_start3A_23 = tpu.memref_squeeze %dma_start3A_22 : memref<1x200x128xi32, #tpu.memory_space<hbm>> -> memref<200x128xi32, #tpu.memory_space<hbm>>
      %dma_start3A_24 = arith.constant 0 : i32
      %dma_start3A_25 = arith.constant 0 : i32
      %dma_start3A_26 = tpu.memref_slice %arg3[%add3A, %dma_start3A_24, %dma_start3A_25] : memref<32x200x128xi32, #tpu.memory_space<hbm>> -> memref<1x200x128xi32, #tpu.memory_space<hbm>>
      %dma_start3A_27 = tpu.memref_squeeze %dma_start3A_26 : memref<1x200x128xi32, #tpu.memory_space<hbm>> -> memref<200x128xi32, #tpu.memory_space<hbm>>
      tpu.enqueue_dma source(%dma_start3A_27 : memref<200x128xi32, #tpu.memory_space<hbm>>) target(%arg6 : memref<200x128xi32, #tpu.memory_space<vmem>>) target_semaphore(%run_scoped3A : memref<!tpu.dma_semaphore, #tpu.memory_space<semaphore_mem>>)
      %dma_wait3A = arith.constant 0 : i32
      %dma_wait3A_28 = arith.constant 0 : i32
      %dma_wait3A_29 = tpu.memref_slice %arg3[%add3A, %dma_wait3A, %dma_wait3A_28] : memref<32x200x128xi32, #tpu.memory_space<hbm>> -> memref<1x200x128xi32, #tpu.memory_space<hbm>>
      %dma_wait3A_30 = tpu.memref_squeeze %dma_wait3A_29 : memref<1x200x128xi32, #tpu.memory_space<hbm>> -> memref<200x128xi32, #tpu.memory_space<hbm>>
      %dma_wait3A_31 = arith.constant 0 : i32
      %dma_wait3A_32 = arith.constant 0 : i32
      %dma_wait3A_33 = tpu.memref_slice %arg3[%add3A, %dma_wait3A_31, %dma_wait3A_32] : memref<32x200x128xi32, #tpu.memory_space<hbm>> -> memref<1x200x128xi32, #tpu.memory_space<hbm>>
      %dma_wait3A_34 = tpu.memref_squeeze %dma_wait3A_33 : memref<1x200x128xi32, #tpu.memory_space<hbm>> -> memref<200x128xi32, #tpu.memory_space<hbm>>
      tpu.wait_dma2 semaphore(%run_scoped3A : memref<!tpu.dma_semaphore, #tpu.memory_space<semaphore_mem>>) src(%dma_wait3A_34 : memref<200x128xi32, #tpu.memory_space<hbm>>) dst(%arg6 : memref<200x128xi32, #tpu.memory_space<vmem>>)
      tpu.yield
    }) : () -> ()
    "tpu.region"() ({
      %run_scoped3A = tpu.sem_alloc : memref<!tpu.dma_semaphore, #tpu.memory_space<semaphore_mem>>
      %dma_start3A = arith.constant 0 : i32
      %dma_start3A_21 = arith.constant 0 : i32
      %dma_start3A_22 = tpu.memref_slice %arg4[%add3A, %dma_start3A, %dma_start3A_21] : memref<32x200x128xi32, #tpu.memory_space<hbm>> -> memref<1x200x128xi32, #tpu.memory_space<hbm>>
      %dma_start3A_23 = tpu.memref_squeeze %dma_start3A_22 : memref<1x200x128xi32, #tpu.memory_space<hbm>> -> memref<200x128xi32, #tpu.memory_space<hbm>>
      %dma_start3A_24 = arith.constant 0 : i32
      %dma_start3A_25 = arith.constant 0 : i32
      %dma_start3A_26 = tpu.memref_slice %arg4[%add3A, %dma_start3A_24, %dma_start3A_25] : memref<32x200x128xi32, #tpu.memory_space<hbm>> -> memref<1x200x128xi32, #tpu.memory_space<hbm>>
      %dma_start3A_27 = tpu.memref_squeeze %dma_start3A_26 : memref<1x200x128xi32, #tpu.memory_space<hbm>> -> memref<200x128xi32, #tpu.memory_space<hbm>>
      tpu.enqueue_dma source(%dma_start3A_27 : memref<200x128xi32, #tpu.memory_space<hbm>>) target(%arg7 : memref<200x128xi32, #tpu.memory_space<vmem>>) target_semaphore(%run_scoped3A : memref<!tpu.dma_semaphore, #tpu.memory_space<semaphore_mem>>)
      %dma_wait3A = arith.constant 0 : i32
      %dma_wait3A_28 = arith.constant 0 : i32
      %dma_wait3A_29 = tpu.memref_slice %arg4[%add3A, %dma_wait3A, %dma_wait3A_28] : memref<32x200x128xi32, #tpu.memory_space<hbm>> -> memref<1x200x128xi32, #tpu.memory_space<hbm>>
      %dma_wait3A_30 = tpu.memref_squeeze %dma_wait3A_29 : memref<1x200x128xi32, #tpu.memory_space<hbm>> -> memref<200x128xi32, #tpu.memory_space<hbm>>
      %dma_wait3A_31 = arith.constant 0 : i32
      %dma_wait3A_32 = arith.constant 0 : i32
      %dma_wait3A_33 = tpu.memref_slice %arg4[%add3A, %dma_wait3A_31, %dma_wait3A_32] : memref<32x200x128xi32, #tpu.memory_space<hbm>> -> memref<1x200x128xi32, #tpu.memory_space<hbm>>
      %dma_wait3A_34 = tpu.memref_squeeze %dma_wait3A_33 : memref<1x200x128xi32, #tpu.memory_space<hbm>> -> memref<200x128xi32, #tpu.memory_space<hbm>>
      tpu.wait_dma2 semaphore(%run_scoped3A : memref<!tpu.dma_semaphore, #tpu.memory_space<semaphore_mem>>) src(%dma_wait3A_34 : memref<200x128xi32, #tpu.memory_space<hbm>>) dst(%arg7 : memref<200x128xi32, #tpu.memory_space<vmem>>)
      tpu.yield
    }) : () -> ()
    %scan3A = arith.constant 0 : i32
    %scan3A_1 = arith.constant 0 : i32
    %scan3A_2 = arith.constant 1568 : i32
    %scan3A_3 = arith.addi %scan3A_1, %scan3A_2 : i32
    %scan3A_4 = arith.constant 1 : i32
    scf.for %scan3A_21 = %scan3A_1 to %scan3A_3 step %scan3A_4  : i32 {
      %broadcast_in_dim3A = arith.constant 0.000000e+00 : f32
      %broadcast_in_dim3A_22 = vector.broadcast %broadcast_in_dim3A : f32 to vector<16xf32>
      %swap3A = arith.index_cast %scan3A_21 : i32 to index
      %swap3A_23 = arith.constant 0 : index
      %swap3A_24 = tpu.vector_load %arg9[%swap3A, %swap3A_23] {strides = array<i32>} : memref<1568x16xf32, #tpu.memory_space<vmem>>, vector<1x16xf32>,
      %swap3A_25 = vector.shape_cast %swap3A_24 : vector<1x16xf32> to vector<16xf32>
      %swap3A_26 = vector.shape_cast %broadcast_in_dim3A_22 : vector<16xf32> to vector<1x16xf32>
      tpu.vector_store %arg9[%swap3A, %swap3A_23], %swap3A_26 {strides = array<i32>} : memref<1568x16xf32, #tpu.memory_space<vmem>>, vector<1x16xf32>,
    }
    %scan3A_5 = arith.constant 1568 : i32
    %mul3A_6 = arith.constant 3136 : i32
    %mul3A_7 = arith.muli %arg1, %mul3A_6 : i32
    "tpu.region"() ({
      %run_scoped3A = tpu.sem_alloc : memref<!tpu.dma_semaphore, #tpu.memory_space<semaphore_mem>>
      %dma_start3A = arith.constant 0 : i32
      %dma_start3A_21 = tpu.memref_slice %arg10[%mul3A_7, %dma_start3A] : memref<50176x16xf32, #tpu.memory_space<vmem_shared>> -> memref<1568x16xf32, #tpu.memory_space<vmem_shared>>
      %dma_start3A_22 = arith.constant 0 : i32
      %dma_start3A_23 = tpu.memref_slice %arg10[%mul3A_7, %dma_start3A_22] : memref<50176x16xf32, #tpu.memory_space<vmem_shared>> -> memref<1568x16xf32, #tpu.memory_space<vmem_shared>>
      tpu.enqueue_dma source(%arg9 : memref<1568x16xf32, #tpu.memory_space<vmem>>) target(%dma_start3A_23 : memref<1568x16xf32, #tpu.memory_space<vmem_shared>>) target_semaphore(%run_scoped3A : memref<!tpu.dma_semaphore, #tpu.memory_space<semaphore_mem>>)
      %dma_wait3A = arith.constant 0 : i32
      %dma_wait3A_24 = tpu.memref_slice %arg10[%mul3A_7, %dma_wait3A] : memref<50176x16xf32, #tpu.memory_space<vmem_shared>> -> memref<1568x16xf32, #tpu.memory_space<vmem_shared>>
      %dma_wait3A_25 = arith.constant 0 : i32
      %dma_wait3A_26 = tpu.memref_slice %arg10[%mul3A_7, %dma_wait3A_25] : memref<50176x16xf32, #tpu.memory_space<vmem_shared>> -> memref<1568x16xf32, #tpu.memory_space<vmem_shared>>
      tpu.wait_dma2 semaphore(%run_scoped3A : memref<!tpu.dma_semaphore, #tpu.memory_space<semaphore_mem>>) src(%arg9 : memref<1568x16xf32, #tpu.memory_space<vmem>>) dst(%dma_wait3A_26 : memref<1568x16xf32, #tpu.memory_space<vmem_shared>>)
      tpu.yield
    }) : () -> ()
    %add3A_8 = arith.constant 1568 : i32
    %add3A_9 = arith.addi %mul3A_7, %add3A_8 : i32
    "tpu.region"() ({
      %run_scoped3A = tpu.sem_alloc : memref<!tpu.dma_semaphore, #tpu.memory_space<semaphore_mem>>
      %dma_start3A = arith.constant 0 : i32
      %dma_start3A_21 = tpu.memref_slice %arg10[%add3A_9, %dma_start3A] : memref<50176x16xf32, #tpu.memory_space<vmem_shared>> -> memref<1568x16xf32, #tpu.memory_space<vmem_shared>>
      %dma_start3A_22 = arith.constant 0 : i32
      %dma_start3A_23 = tpu.memref_slice %arg10[%add3A_9, %dma_start3A_22] : memref<50176x16xf32, #tpu.memory_space<vmem_shared>> -> memref<1568x16xf32, #tpu.memory_space<vmem_shared>>
      tpu.enqueue_dma source(%arg9 : memref<1568x16xf32, #tpu.memory_space<vmem>>) target(%dma_start3A_23 : memref<1568x16xf32, #tpu.memory_space<vmem_shared>>) target_semaphore(%run_scoped3A : memref<!tpu.dma_semaphore, #tpu.memory_space<semaphore_mem>>)
      %dma_wait3A = arith.constant 0 : i32
      %dma_wait3A_24 = tpu.memref_slice %arg10[%add3A_9, %dma_wait3A] : memref<50176x16xf32, #tpu.memory_space<vmem_shared>> -> memref<1568x16xf32, #tpu.memory_space<vmem_shared>>
      %dma_wait3A_25 = arith.constant 0 : i32
      %dma_wait3A_26 = tpu.memref_slice %arg10[%add3A_9, %dma_wait3A_25] : memref<50176x16xf32, #tpu.memory_space<vmem_shared>> -> memref<1568x16xf32, #tpu.memory_space<vmem_shared>>
      tpu.wait_dma2 semaphore(%run_scoped3A : memref<!tpu.dma_semaphore, #tpu.memory_space<semaphore_mem>>) src(%arg9 : memref<1568x16xf32, #tpu.memory_space<vmem>>) dst(%dma_wait3A_26 : memref<1568x16xf32, #tpu.memory_space<vmem_shared>>)
      tpu.yield
    }) : () -> ()
    %barrier3A = arith.constant 0 : index
    tpu.barrier barrier_id(%barrier3A)
    %scan3A_10 = arith.constant 0 : i32
    %scan3A_11 = arith.constant 0 : i32
    %scan3A_12 = arith.constant 200 : i32
    %scan3A_13 = arith.addi %scan3A_11, %scan3A_12 : i32
    %scan3A_14 = arith.constant 1 : i32
    scf.for %scan3A_21 = %scan3A_11 to %scan3A_13 step %scan3A_14  : i32 {
      %dma_start3A = arith.constant 0 : i32
      %dma_start3A_22 = tpu.memref_slice %arg6[%scan3A_21, %dma_start3A] : memref<200x128xi32, #tpu.memory_space<vmem>> -> memref<1x128xi32, #tpu.memory_space<vmem>>
      %dma_start3A_23 = tpu.memref_squeeze %dma_start3A_22 : memref<1x128xi32, #tpu.memory_space<vmem>> -> memref<128xi32, #tpu.memory_space<vmem>>
      %dma_start3A_24 = arith.constant 0 : i32
      %dma_start3A_25 = arith.constant 0 : i32
      %dma_start3A_26 = tpu.memref_slice %arg2[%dma_start3A_24, %dma_start3A_25] : memref<50000x16xf32, #tpu.memory_space<hbm>> -> memref<50000x16xf32, #tpu.memory_space<hbm>>
      tpu.enqueue_indirect_dma source(%dma_start3A_26 : memref<50000x16xf32, #tpu.memory_space<hbm>>) target(%arg8 : memref<128x16xf32, #tpu.memory_space<vmem>>) offsets(%dma_start3A_23 : memref<128xi32, #tpu.memory_space<vmem>>) semaphore(%arg11 : memref<!tpu.dma_semaphore, #tpu.memory_space<semaphore_mem>>)
      %dma_wait3A = arith.constant 0 : i32
      %dma_wait3A_27 = tpu.memref_slice %arg6[%scan3A_21, %dma_wait3A] : memref<200x128xi32, #tpu.memory_space<vmem>> -> memref<1x128xi32, #tpu.memory_space<vmem>>
      %dma_wait3A_28 = tpu.memref_squeeze %dma_wait3A_27 : memref<1x128xi32, #tpu.memory_space<vmem>> -> memref<128xi32, #tpu.memory_space<vmem>>
      %dma_wait3A_29 = arith.constant 0 : i32
      %dma_wait3A_30 = arith.constant 0 : i32
      %dma_wait3A_31 = tpu.memref_slice %arg2[%dma_wait3A_29, %dma_wait3A_30] : memref<50000x16xf32, #tpu.memory_space<hbm>> -> memref<50000x16xf32, #tpu.memory_space<hbm>>
      tpu.wait_indirect_dma semaphore(%arg11 : memref<!tpu.dma_semaphore, #tpu.memory_space<semaphore_mem>>) src(%dma_wait3A_31 : memref<50000x16xf32, #tpu.memory_space<hbm>>) dst(%arg8 : memref<128x16xf32, #tpu.memory_space<vmem>>)
      "tpu.region"() ({
        %run_scoped3A = tpu.sem_alloc : memref<!tpu.dma_semaphore, #tpu.memory_space<semaphore_mem>>
        %dma_start3A_32 = arith.constant 0 : i32
        %dma_start3A_33 = tpu.memref_slice %arg7[%scan3A_21, %dma_start3A_32] : memref<200x128xi32, #tpu.memory_space<vmem>> -> memref<1x128xi32, #tpu.memory_space<vmem>>
        %dma_start3A_34 = tpu.memref_squeeze %dma_start3A_33 : memref<1x128xi32, #tpu.memory_space<vmem>> -> memref<128xi32, #tpu.memory_space<vmem>>
        %dma_start3A_35 = arith.constant 0 : i32
        %dma_start3A_36 = arith.constant 0 : i32
        %dma_start3A_37 = tpu.memref_slice %arg10[%dma_start3A_35, %dma_start3A_36] : memref<50176x16xf32, #tpu.memory_space<vmem_shared>> -> memref<50176x16xf32, #tpu.memory_space<vmem_shared>>
        tpu.enqueue_indirect_dma source(%arg8 : memref<128x16xf32, #tpu.memory_space<vmem>>) target(%dma_start3A_37 : memref<50176x16xf32, #tpu.memory_space<vmem_shared>>) offsets(%dma_start3A_34 : memref<128xi32, #tpu.memory_space<vmem>>) semaphore(%run_scoped3A : memref<!tpu.dma_semaphore, #tpu.memory_space<semaphore_mem>>) {add = true}
        %dma_wait3A_38 = arith.constant 0 : i32
        %dma_wait3A_39 = tpu.memref_slice %arg7[%scan3A_21, %dma_wait3A_38] : memref<200x128xi32, #tpu.memory_space<vmem>> -> memref<1x128xi32, #tpu.memory_space<vmem>>
        %dma_wait3A_40 = tpu.memref_squeeze %dma_wait3A_39 : memref<1x128xi32, #tpu.memory_space<vmem>> -> memref<128xi32, #tpu.memory_space<vmem>>
        %dma_wait3A_41 = arith.constant 0 : i32
        %dma_wait3A_42 = arith.constant 0 : i32
        %dma_wait3A_43 = tpu.memref_slice %arg10[%dma_wait3A_41, %dma_wait3A_42] : memref<50176x16xf32, #tpu.memory_space<vmem_shared>> -> memref<50176x16xf32, #tpu.memory_space<vmem_shared>>
        tpu.wait_indirect_dma semaphore(%run_scoped3A : memref<!tpu.dma_semaphore, #tpu.memory_space<semaphore_mem>>) src(%arg8 : memref<128x16xf32, #tpu.memory_space<vmem>>) dst(%dma_wait3A_43 : memref<50176x16xf32, #tpu.memory_space<vmem_shared>>)
        tpu.yield
      }) : () -> ()
    }
    %scan3A_15 = arith.constant 200 : i32
    %barrier3A_16 = arith.constant 0 : index
    tpu.barrier barrier_id(%barrier3A_16)
    "tpu.region"() ({
      %run_scoped3A = tpu.sem_alloc : memref<!tpu.dma_semaphore, #tpu.memory_space<semaphore_mem>>
      %dma_start3A = arith.constant 0 : i32
      %dma_start3A_21 = tpu.memref_slice %arg10[%mul3A_7, %dma_start3A] : memref<50176x16xf32, #tpu.memory_space<vmem_shared>> -> memref<1568x16xf32, #tpu.memory_space<vmem_shared>>
      %dma_start3A_22 = arith.constant 0 : i32
      %dma_start3A_23 = tpu.memref_slice %arg10[%mul3A_7, %dma_start3A_22] : memref<50176x16xf32, #tpu.memory_space<vmem_shared>> -> memref<1568x16xf32, #tpu.memory_space<vmem_shared>>
      tpu.enqueue_dma source(%dma_start3A_23 : memref<1568x16xf32, #tpu.memory_space<vmem_shared>>) target(%arg9 : memref<1568x16xf32, #tpu.memory_space<vmem>>) target_semaphore(%run_scoped3A : memref<!tpu.dma_semaphore, #tpu.memory_space<semaphore_mem>>)
      %dma_wait3A = arith.constant 0 : i32
      %dma_wait3A_24 = tpu.memref_slice %arg10[%mul3A_7, %dma_wait3A] : memref<50176x16xf32, #tpu.memory_space<vmem_shared>> -> memref<1568x16xf32, #tpu.memory_space<vmem_shared>>
      %dma_wait3A_25 = arith.constant 0 : i32
      %dma_wait3A_26 = tpu.memref_slice %arg10[%mul3A_7, %dma_wait3A_25] : memref<50176x16xf32, #tpu.memory_space<vmem_shared>> -> memref<1568x16xf32, #tpu.memory_space<vmem_shared>>
      tpu.wait_dma2 semaphore(%run_scoped3A : memref<!tpu.dma_semaphore, #tpu.memory_space<semaphore_mem>>) src(%dma_wait3A_26 : memref<1568x16xf32, #tpu.memory_space<vmem_shared>>) dst(%arg9 : memref<1568x16xf32, #tpu.memory_space<vmem>>)
      tpu.yield
    }) : () -> ()
    "tpu.region"() ({
      %run_scoped3A = tpu.sem_alloc : memref<!tpu.dma_semaphore, #tpu.memory_space<semaphore_mem>>
      %dma_start3A = arith.constant 0 : i32
      %dma_start3A_21 = tpu.memref_slice %arg5[%arg0, %mul3A_7, %dma_start3A] : memref<2x50176x16xf32, #tpu.memory_space<hbm>> -> memref<1x1568x16xf32, #tpu.memory_space<hbm>>
      %dma_start3A_22 = tpu.memref_squeeze %dma_start3A_21 : memref<1x1568x16xf32, #tpu.memory_space<hbm>> -> memref<1568x16xf32, #tpu.memory_space<hbm>>
      %dma_start3A_23 = arith.constant 0 : i32
      %dma_start3A_24 = tpu.memref_slice %arg5[%arg0, %mul3A_7, %dma_start3A_23] : memref<2x50176x16xf32, #tpu.memory_space<hbm>> -> memref<1x1568x16xf32, #tpu.memory_space<hbm>>
      %dma_start3A_25 = tpu.memref_squeeze %dma_start3A_24 : memref<1x1568x16xf32, #tpu.memory_space<hbm>> -> memref<1568x16xf32, #tpu.memory_space<hbm>>
      tpu.enqueue_dma source(%arg9 : memref<1568x16xf32, #tpu.memory_space<vmem>>) target(%dma_start3A_25 : memref<1568x16xf32, #tpu.memory_space<hbm>>) target_semaphore(%run_scoped3A : memref<!tpu.dma_semaphore, #tpu.memory_space<semaphore_mem>>)
      %dma_wait3A = arith.constant 0 : i32
      %dma_wait3A_26 = tpu.memref_slice %arg5[%arg0, %mul3A_7, %dma_wait3A] : memref<2x50176x16xf32, #tpu.memory_space<hbm>> -> memref<1x1568x16xf32, #tpu.memory_space<hbm>>
      %dma_wait3A_27 = tpu.memref_squeeze %dma_wait3A_26 : memref<1x1568x16xf32, #tpu.memory_space<hbm>> -> memref<1568x16xf32, #tpu.memory_space<hbm>>
      %dma_wait3A_28 = arith.constant 0 : i32
      %dma_wait3A_29 = tpu.memref_slice %arg5[%arg0, %mul3A_7, %dma_wait3A_28] : memref<2x50176x16xf32, #tpu.memory_space<hbm>> -> memref<1x1568x16xf32, #tpu.memory_space<hbm>>
      %dma_wait3A_30 = tpu.memref_squeeze %dma_wait3A_29 : memref<1x1568x16xf32, #tpu.memory_space<hbm>> -> memref<1568x16xf32, #tpu.memory_space<hbm>>
      tpu.wait_dma2 semaphore(%run_scoped3A : memref<!tpu.dma_semaphore, #tpu.memory_space<semaphore_mem>>) src(%arg9 : memref<1568x16xf32, #tpu.memory_space<vmem>>) dst(%dma_wait3A_30 : memref<1568x16xf32, #tpu.memory_space<hbm>>)
      tpu.yield
    }) : () -> ()
    %add3A_17 = arith.constant 1568 : i32
    %add3A_18 = arith.addi %mul3A_7, %add3A_17 : i32
    "tpu.region"() ({
      %run_scoped3A = tpu.sem_alloc : memref<!tpu.dma_semaphore, #tpu.memory_space<semaphore_mem>>
      %dma_start3A = arith.constant 0 : i32
      %dma_start3A_21 = tpu.memref_slice %arg10[%add3A_18, %dma_start3A] : memref<50176x16xf32, #tpu.memory_space<vmem_shared>> -> memref<1568x16xf32, #tpu.memory_space<vmem_shared>>
      %dma_start3A_22 = arith.constant 0 : i32
      %dma_start3A_23 = tpu.memref_slice %arg10[%add3A_18, %dma_start3A_22] : memref<50176x16xf32, #tpu.memory_space<vmem_shared>> -> memref<1568x16xf32, #tpu.memory_space<vmem_shared>>
      tpu.enqueue_dma source(%dma_start3A_23 : memref<1568x16xf32, #tpu.memory_space<vmem_shared>>) target(%arg9 : memref<1568x16xf32, #tpu.memory_space<vmem>>) target_semaphore(%run_scoped3A : memref<!tpu.dma_semaphore, #tpu.memory_space<semaphore_mem>>)
      %dma_wait3A = arith.constant 0 : i32
      %dma_wait3A_24 = tpu.memref_slice %arg10[%add3A_18, %dma_wait3A] : memref<50176x16xf32, #tpu.memory_space<vmem_shared>> -> memref<1568x16xf32, #tpu.memory_space<vmem_shared>>
      %dma_wait3A_25 = arith.constant 0 : i32
      %dma_wait3A_26 = tpu.memref_slice %arg10[%add3A_18, %dma_wait3A_25] : memref<50176x16xf32, #tpu.memory_space<vmem_shared>> -> memref<1568x16xf32, #tpu.memory_space<vmem_shared>>
      tpu.wait_dma2 semaphore(%run_scoped3A : memref<!tpu.dma_semaphore, #tpu.memory_space<semaphore_mem>>) src(%dma_wait3A_26 : memref<1568x16xf32, #tpu.memory_space<vmem_shared>>) dst(%arg9 : memref<1568x16xf32, #tpu.memory_space<vmem>>)
      tpu.yield
    }) : () -> ()
    %add3A_19 = arith.constant 1568 : i32
    %add3A_20 = arith.addi %mul3A_7, %add3A_19 : i32
    "tpu.region"() ({
      %run_scoped3A = tpu.sem_alloc : memref<!tpu.dma_semaphore, #tpu.memory_space<semaphore_mem>>
      %dma_start3A = arith.constant 0 : i32
      %dma_start3A_21 = tpu.memref_slice %arg5[%arg0, %add3A_20, %dma_start3A] : memref<2x50176x16xf32, #tpu.memory_space<hbm>> -> memref<1x1568x16xf32, #tpu.memory_space<hbm>>
      %dma_start3A_22 = tpu.memref_squeeze %dma_start3A_21 : memref<1x1568x16xf32, #tpu.memory_space<hbm>> -> memref<1568x16xf32, #tpu.memory_space<hbm>>
      %dma_start3A_23 = arith.constant 0 : i32
      %dma_start3A_24 = tpu.memref_slice %arg5[%arg0, %add3A_20, %dma_start3A_23] : memref<2x50176x16xf32, #tpu.memory_space<hbm>> -> memref<1x1568x16xf32, #tpu.memory_space<hbm>>
      %dma_start3A_25 = tpu.memref_squeeze %dma_start3A_24 : memref<1x1568x16xf32, #tpu.memory_space<hbm>> -> memref<1568x16xf32, #tpu.memory_space<hbm>>
      tpu.enqueue_dma source(%arg9 : memref<1568x16xf32, #tpu.memory_space<vmem>>) target(%dma_start3A_25 : memref<1568x16xf32, #tpu.memory_space<hbm>>) target_semaphore(%run_scoped3A : memref<!tpu.dma_semaphore, #tpu.memory_space<semaphore_mem>>)
      %dma_wait3A = arith.constant 0 : i32
      %dma_wait3A_26 = tpu.memref_slice %arg5[%arg0, %add3A_20, %dma_wait3A] : memref<2x50176x16xf32, #tpu.memory_space<hbm>> -> memref<1x1568x16xf32, #tpu.memory_space<hbm>>
      %dma_wait3A_27 = tpu.memref_squeeze %dma_wait3A_26 : memref<1x1568x16xf32, #tpu.memory_space<hbm>> -> memref<1568x16xf32, #tpu.memory_space<hbm>>
      %dma_wait3A_28 = arith.constant 0 : i32
      %dma_wait3A_29 = tpu.memref_slice %arg5[%arg0, %add3A_20, %dma_wait3A_28] : memref<2x50176x16xf32, #tpu.memory_space<hbm>> -> memref<1x1568x16xf32, #tpu.memory_space<hbm>>
      %dma_wait3A_30 = tpu.memref_squeeze %dma_wait3A_29 : memref<1x1568x16xf32, #tpu.memory_space<hbm>> -> memref<1568x16xf32, #tpu.memory_space<hbm>>
      tpu.wait_dma2 semaphore(%run_scoped3A : memref<!tpu.dma_semaphore, #tpu.memory_space<semaphore_mem>>) src(%arg9 : memref<1568x16xf32, #tpu.memory_space<vmem>>) dst(%dma_wait3A_30 : memref<1568x16xf32, #tpu.memory_space<hbm>>)
      tpu.yield
    }) : () -> ()
    return
  }
}

module attributes {stable_mosaic.version = 14 : i64} {
  func.func @_mid_body(%arg0: i32, %arg1: memref<2x1000x16xf32, #tpu.memory_space<vmem>>, %arg2: memref<1000x3xf32, #tpu.memory_space<vmem>>, %arg3: memref<3x150xf32, #tpu.memory_space<vmem>>, %arg4: memref<3x150xf32, #tpu.memory_space<vmem>>, %arg5: memref<1x150xf32, #tpu.memory_space<vmem>>, %arg6: memref<150x16xf32, #tpu.memory_space<vmem>>, %arg7: memref<1000x150xf32, #tpu.memory_space<vmem>>, %arg8: memref<1000x16xf32, #tpu.memory_space<vmem>>, %arg9: memref<1000x1xf32, #tpu.memory_space<vmem>>) attributes {dimension_semantics = [#tpu.dimension_semantics<arbitrary>], iteration_bounds = array<i64: 50>, scalar_prefetch = 0 : i64, scratch_operands = 0 : i64, tpu.core_type = #tpu.core_type<tc>, window_params = [{transform_indices = @transform_0, window_bounds = array<i64: 2, 1000, 16>}, {transform_indices = @transform_1, window_bounds = array<i64: 1000, 3>}, {pipeline_mode = #tpu.pipeline_mode<synchronous>, transform_indices = @transform_2, window_bounds = array<i64: 3, 150>}, {pipeline_mode = #tpu.pipeline_mode<synchronous>, transform_indices = @transform_3, window_bounds = array<i64: 3, 150>}, {pipeline_mode = #tpu.pipeline_mode<synchronous>, transform_indices = @transform_4, window_bounds = array<i64: 1, 150>}, {pipeline_mode = #tpu.pipeline_mode<synchronous>, transform_indices = @transform_5, window_bounds = array<i64: 150, 16>}, {transform_indices = @transform_6, window_bounds = array<i64: 1000, 150>}, {transform_indices = @transform_7, window_bounds = array<i64: 1000, 16>}, {transform_indices = @transform_8, window_bounds = array<i64: 1000, 1>}]} {
    %get3A = arith.constant 0 : index
    %get3A_0 = arith.constant 0 : index
    %get3A_1 = arith.constant 0 : index
    %get3A_2 = vector.load %arg1[%get3A, %get3A_0, %get3A_1] : memref<2x1000x16xf32, #tpu.memory_space<vmem>>, vector<1x1000x16xf32>
    %get3A_3 = vector.shape_cast %get3A_2 : vector<1x1000x16xf32> to vector<1000x16xf32>
    %get3A_4 = arith.constant 1 : index
    %get3A_5 = arith.constant 0 : index
    %get3A_6 = arith.constant 0 : index
    %get3A_7 = vector.load %arg1[%get3A_4, %get3A_5, %get3A_6] : memref<2x1000x16xf32, #tpu.memory_space<vmem>>, vector<1x1000x16xf32>
    %get3A_8 = vector.shape_cast %get3A_7 : vector<1x1000x16xf32> to vector<1000x16xf32>
    %add3A = arith.addf %get3A_3, %get3A_8 : vector<1000x16xf32>
    %slice3A = vector.extract_strided_slice %add3A {offsets = [0, 3], sizes = [1000, 1], strides = [1, 1]} : vector<1000x16xf32> to vector<1000x1xf32>
    %max3A = arith.constant 1.000000e+00 : f32
    %max3A_9 = vector.broadcast %max3A : f32 to vector<1000x1xf32>
    %max3A_10 = arith.maximumf %slice3A, %max3A_9 : vector<1000x1xf32>
    %div3A = arith.constant 1.000000e+00 : f32
    %div3A_11 = vector.broadcast %div3A : f32 to vector<1000x1xf32>
    %div3A_12 = arith.divf %div3A_11, %max3A_10 : vector<1000x1xf32>
    %slice3A_13 = vector.extract_strided_slice %add3A {offsets = [0, 0], sizes = [1000, 3], strides = [1, 1]} : vector<1000x16xf32> to vector<1000x3xf32>
    %mul3A = vector.broadcast %div3A_12 : vector<1000x1xf32> to vector<1000x3xf32>
    %mul3A_14 = arith.mulf %slice3A_13, %mul3A : vector<1000x3xf32>
    %get3A_15 = arith.constant 0 : index
    %get3A_16 = arith.constant 0 : index
    %get3A_17 = vector.load %arg2[%get3A_15, %get3A_16] : memref<1000x3xf32, #tpu.memory_space<vmem>>, vector<1000x3xf32>
    %get3A_18 = arith.constant 0 : index
    %get3A_19 = arith.constant 0 : index
    %get3A_20 = vector.load %arg3[%get3A_18, %get3A_19] : memref<3x150xf32, #tpu.memory_space<vmem>>, vector<3x150xf32>
    %dot_general3A = arith.constant dense<0.000000e+00> : vector<1000x150xf32>
    %dot_general3A_21 = tpu.matmul %get3A_17, %get3A_20, %dot_general3A {dimension_numbers = #tpu.dot_dimension_numbers<[1], [0], [0], [1], [0, 0, 1, 1], [], []>, transpose_lhs_hint = false} : vector<1000x3xf32>, vector<3x150xf32>, vector<1000x150xf32> -> vector<1000x150xf32>
    %get3A_22 = arith.constant 0 : index
    %get3A_23 = arith.constant 0 : index
    %get3A_24 = vector.load %arg4[%get3A_22, %get3A_23] : memref<3x150xf32, #tpu.memory_space<vmem>>, vector<3x150xf32>
    %dot_general3A_25 = arith.constant dense<0.000000e+00> : vector<1000x150xf32>
    %dot_general3A_26 = tpu.matmul %mul3A_14, %get3A_24, %dot_general3A_25 {dimension_numbers = #tpu.dot_dimension_numbers<[1], [0], [0], [1], [0, 0, 1, 1], [], []>, transpose_lhs_hint = false} : vector<1000x3xf32>, vector<3x150xf32>, vector<1000x150xf32> -> vector<1000x150xf32>
    %add3A_27 = arith.addf %dot_general3A_21, %dot_general3A_26 : vector<1000x150xf32>
    %get3A_28 = arith.constant 0 : index
    %get3A_29 = arith.constant 0 : index
    %get3A_30 = vector.load %arg5[%get3A_28, %get3A_29] : memref<1x150xf32, #tpu.memory_space<vmem>>, vector<1x150xf32>
    %add3A_31 = vector.broadcast %get3A_30 : vector<1x150xf32> to vector<1000x150xf32>
    %add3A_32 = arith.addf %add3A_27, %add3A_31 : vector<1000x150xf32>
    %max3A_33 = arith.constant 0.000000e+00 : f32
    %max3A_34 = vector.broadcast %max3A_33 : f32 to vector<1000x150xf32>
    %max3A_35 = arith.maximumf %add3A_32, %max3A_34 : vector<1000x150xf32>
    %swap3A = arith.constant 0 : index
    %swap3A_36 = arith.constant 0 : index
    %swap3A_37 = vector.load %arg7[%swap3A, %swap3A_36] : memref<1000x150xf32, #tpu.memory_space<vmem>>, vector<1000x150xf32>
    tpu.vector_store %arg7[%swap3A, %swap3A_36], %max3A_35 {strides = array<i32>} : memref<1000x150xf32, #tpu.memory_space<vmem>>, vector<1000x150xf32>,
    %get3A_38 = arith.constant 0 : index
    %get3A_39 = arith.constant 0 : index
    %get3A_40 = vector.load %arg6[%get3A_38, %get3A_39] : memref<150x16xf32, #tpu.memory_space<vmem>>, vector<150x16xf32>
    %dot_general3A_41 = arith.constant dense<0.000000e+00> : vector<1000x16xf32>
    %dot_general3A_42 = tpu.matmul %max3A_35, %get3A_40, %dot_general3A_41 {dimension_numbers = #tpu.dot_dimension_numbers<[1], [0], [0], [1], [0, 0, 1, 1], [], []>, transpose_lhs_hint = false} : vector<1000x150xf32>, vector<150x16xf32>, vector<1000x16xf32> -> vector<1000x16xf32>
    %swap3A_43 = arith.constant 0 : index
    %swap3A_44 = arith.constant 0 : index
    %swap3A_45 = vector.load %arg8[%swap3A_43, %swap3A_44] : memref<1000x16xf32, #tpu.memory_space<vmem>>, vector<1000x16xf32>
    tpu.vector_store %arg8[%swap3A_43, %swap3A_44], %dot_general3A_42 {strides = array<i32>} : memref<1000x16xf32, #tpu.memory_space<vmem>>, vector<1000x16xf32>,
    %swap3A_46 = arith.constant 0 : index
    %swap3A_47 = arith.constant 0 : index
    %swap3A_48 = vector.load %arg9[%swap3A_46, %swap3A_47] : memref<1000x1xf32, #tpu.memory_space<vmem>>, vector<1000x1xf32>
    tpu.vector_store %arg9[%swap3A_46, %swap3A_47], %div3A_12 {strides = array<i32>} : memref<1000x1xf32, #tpu.memory_space<vmem>>, vector<1000x1xf32>,
    return
  }
  func.func @transform_0(%arg0: i32) -> (i32, i32, i32) {
    %c0_i32 = arith.constant 0 : i32
    %c0_i32_0 = arith.constant 0 : i32
    %c0_i32_1 = arith.constant 0 : i32
    return %c0_i32, %arg0, %c0_i32_0 : i32, i32, i32
  }
  func.func @transform_1(%arg0: i32) -> (i32, i32) {
    %c0_i32 = arith.constant 0 : i32
    %c0_i32_0 = arith.constant 0 : i32
    return %arg0, %c0_i32 : i32, i32
  }
  func.func @transform_2(%arg0: i32) -> (i32, i32) {
    %c0_i32 = arith.constant 0 : i32
    %c0_i32_0 = arith.constant 0 : i32
    %c0_i32_1 = arith.constant 0 : i32
    return %c0_i32, %c0_i32_0 : i32, i32
  }
  func.func @transform_3(%arg0: i32) -> (i32, i32) {
    %c0_i32 = arith.constant 0 : i32
    %c0_i32_0 = arith.constant 0 : i32
    %c0_i32_1 = arith.constant 0 : i32
    return %c0_i32, %c0_i32_0 : i32, i32
  }
  func.func @transform_4(%arg0: i32) -> (i32, i32) {
    %c0_i32 = arith.constant 0 : i32
    %c0_i32_0 = arith.constant 0 : i32
    %c0_i32_1 = arith.constant 0 : i32
    return %c0_i32, %c0_i32_0 : i32, i32
  }
  func.func @transform_5(%arg0: i32) -> (i32, i32) {
    %c0_i32 = arith.constant 0 : i32
    %c0_i32_0 = arith.constant 0 : i32
    %c0_i32_1 = arith.constant 0 : i32
    return %c0_i32, %c0_i32_0 : i32, i32
  }
  func.func @transform_6(%arg0: i32) -> (i32, i32) {
    %c0_i32 = arith.constant 0 : i32
    %c0_i32_0 = arith.constant 0 : i32
    return %arg0, %c0_i32 : i32, i32
  }
  func.func @transform_7(%arg0: i32) -> (i32, i32) {
    %c0_i32 = arith.constant 0 : i32
    %c0_i32_0 = arith.constant 0 : i32
    return %arg0, %c0_i32 : i32, i32
  }
  func.func @transform_8(%arg0: i32) -> (i32, i32) {
    %c0_i32 = arith.constant 0 : i32
    %c0_i32_0 = arith.constant 0 : i32
    return %arg0, %c0_i32 : i32, i32
  }
}

module attributes {stable_mosaic.version = 14 : i64} {
  func.func @_out_body(%arg0: i32, %arg1: memref<1000x150xf32, #tpu.memory_space<vmem>>, %arg2: memref<2x1000x16xf32, #tpu.memory_space<vmem>>, %arg3: memref<1000x1xf32, #tpu.memory_space<vmem>>, %arg4: memref<150x16xf32, #tpu.memory_space<vmem>>, %arg5: memref<1x16xf32, #tpu.memory_space<vmem>>, %arg6: memref<1000x16xf32, #tpu.memory_space<vmem>>) attributes {dimension_semantics = [#tpu.dimension_semantics<arbitrary>], iteration_bounds = array<i64: 50>, scalar_prefetch = 0 : i64, scratch_operands = 0 : i64, tpu.core_type = #tpu.core_type<tc>, window_params = [{transform_indices = @transform_0, window_bounds = array<i64: 1000, 150>}, {transform_indices = @transform_1, window_bounds = array<i64: 2, 1000, 16>}, {transform_indices = @transform_2, window_bounds = array<i64: 1000, 1>}, {pipeline_mode = #tpu.pipeline_mode<synchronous>, transform_indices = @transform_3, window_bounds = array<i64: 150, 16>}, {pipeline_mode = #tpu.pipeline_mode<synchronous>, transform_indices = @transform_4, window_bounds = array<i64: 1, 16>}, {transform_indices = @transform_5, window_bounds = array<i64: 1000, 16>}]} {
    %get3A = arith.constant 0 : index
    %get3A_0 = arith.constant 0 : index
    %get3A_1 = arith.constant 0 : index
    %get3A_2 = vector.load %arg2[%get3A, %get3A_0, %get3A_1] : memref<2x1000x16xf32, #tpu.memory_space<vmem>>, vector<1x1000x16xf32>
    %get3A_3 = vector.shape_cast %get3A_2 : vector<1x1000x16xf32> to vector<1000x16xf32>
    %get3A_4 = arith.constant 1 : index
    %get3A_5 = arith.constant 0 : index
    %get3A_6 = arith.constant 0 : index
    %get3A_7 = vector.load %arg2[%get3A_4, %get3A_5, %get3A_6] : memref<2x1000x16xf32, #tpu.memory_space<vmem>>, vector<1x1000x16xf32>
    %get3A_8 = vector.shape_cast %get3A_7 : vector<1x1000x16xf32> to vector<1000x16xf32>
    %add3A = arith.addf %get3A_3, %get3A_8 : vector<1000x16xf32>
    %get3A_9 = arith.constant 0 : index
    %get3A_10 = arith.constant 0 : index
    %get3A_11 = vector.load %arg1[%get3A_9, %get3A_10] : memref<1000x150xf32, #tpu.memory_space<vmem>>, vector<1000x150xf32>
    %get3A_12 = arith.constant 0 : index
    %get3A_13 = arith.constant 0 : index
    %get3A_14 = vector.load %arg4[%get3A_12, %get3A_13] : memref<150x16xf32, #tpu.memory_space<vmem>>, vector<150x16xf32>
    %dot_general3A = arith.constant dense<0.000000e+00> : vector<1000x16xf32>
    %dot_general3A_15 = tpu.matmul %get3A_11, %get3A_14, %dot_general3A {dimension_numbers = #tpu.dot_dimension_numbers<[1], [0], [0], [1], [0, 0, 1, 1], [], []>, transpose_lhs_hint = false} : vector<1000x150xf32>, vector<150x16xf32>, vector<1000x16xf32> -> vector<1000x16xf32>
    %get3A_16 = arith.constant 0 : index
    %get3A_17 = arith.constant 0 : index
    %get3A_18 = vector.load %arg3[%get3A_16, %get3A_17] : memref<1000x1xf32, #tpu.memory_space<vmem>>, vector<1000x1xf32>
    %mul3A = vector.broadcast %get3A_18 : vector<1000x1xf32> to vector<1000x16xf32>
    %mul3A_19 = arith.mulf %add3A, %mul3A : vector<1000x16xf32>
    %add3A_20 = arith.addf %dot_general3A_15, %mul3A_19 : vector<1000x16xf32>
    %get3A_21 = arith.constant 0 : index
    %get3A_22 = arith.constant 0 : index
    %get3A_23 = vector.load %arg5[%get3A_21, %get3A_22] : memref<1x16xf32, #tpu.memory_space<vmem>>, vector<1x16xf32>
    %add3A_24 = vector.broadcast %get3A_23 : vector<1x16xf32> to vector<1000x16xf32>
    %add3A_25 = arith.addf %add3A_20, %add3A_24 : vector<1000x16xf32>
    %swap3A = arith.constant 0 : index
    %swap3A_26 = arith.constant 0 : index
    %swap3A_27 = vector.load %arg6[%swap3A, %swap3A_26] : memref<1000x16xf32, #tpu.memory_space<vmem>>, vector<1000x16xf32>
    tpu.vector_store %arg6[%swap3A, %swap3A_26], %add3A_25 {strides = array<i32>} : memref<1000x16xf32, #tpu.memory_space<vmem>>, vector<1000x16xf32>,
    return
  }
  func.func @transform_0(%arg0: i32) -> (i32, i32) {
    %c0_i32 = arith.constant 0 : i32
    %c0_i32_0 = arith.constant 0 : i32
    return %arg0, %c0_i32 : i32, i32
  }
  func.func @transform_1(%arg0: i32) -> (i32, i32, i32) {
    %c0_i32 = arith.constant 0 : i32
    %c0_i32_0 = arith.constant 0 : i32
    %c0_i32_1 = arith.constant 0 : i32
    return %c0_i32, %arg0, %c0_i32_0 : i32, i32, i32
  }
  func.func @transform_2(%arg0: i32) -> (i32, i32) {
    %c0_i32 = arith.constant 0 : i32
    %c0_i32_0 = arith.constant 0 : i32
    return %arg0, %c0_i32 : i32, i32
  }
  func.func @transform_3(%arg0: i32) -> (i32, i32) {
    %c0_i32 = arith.constant 0 : i32
    %c0_i32_0 = arith.constant 0 : i32
    %c0_i32_1 = arith.constant 0 : i32
    return %c0_i32, %c0_i32_0 : i32, i32
  }
  func.func @transform_4(%arg0: i32) -> (i32, i32) {
    %c0_i32 = arith.constant 0 : i32
    %c0_i32_0 = arith.constant 0 : i32
    %c0_i32_1 = arith.constant 0 : i32
    return %c0_i32, %c0_i32_0 : i32, i32
  }
  func.func @transform_5(%arg0: i32) -> (i32, i32) {
    %c0_i32 = arith.constant 0 : i32
    %c0_i32_0 = arith.constant 0 : i32
    return %arg0, %c0_i32 : i32, i32
  }
}

</mosaic_0001>

<sc_bundles>
// kernel: kernel.6.cloned.1.call-start
scs
__scs_entry_jumppad:
0x0: {  	(pc) =	sbr.rel $0x88, $3  }
0x1: {  	(tag) =	ssettag $0x0;
	lr =	simm.s32 $0x1  }
0x2: {  	[smem:$0x3F99] =	sst lr;
	_ =	strace $0xD0000000  }
0x3: {  	_ = 	snop  }
0x4: {  	_ = 	snop  }
0x5: {  	_ = 	snop  }
0x6: {  	_ = 	snop  }
0x7: {  	_ = 	snop  }
__scs_overlays_trampoline_lowered:
0x8: {  	[smem:$0x3FA8] =	sst s0  }
0x9: {  	[smem:$0x3FA9] =	sst s1  }
0xa: {  	[smem:$0x3FAA] =	sst s2  }
0xb: {  	[smem:$0x3FAB] =	sst s3  }
0xc: {  	[smem:$0x3FAC] =	sst s4  }
0xd: {  	[smem:$0x3FAD] =	sst s5  }
0xe: {  	[smem:$0x3FAE] =	sst s6  }
0xf: {  	[smem:$0x3FAF] =	sst s7  }
0x10: {  	[smem:$0x3FB0] =	sst s8  }
0x11: {  	[smem:$0x3FB1] =	sst s9;
	s0 =	simm.s32 @!p0 $0x0  }
0x12: {  	s1 =	sld [smem:$0x3F97];
	s0 =	simm.s32 @p0 $0x1  }
0x13: {  	[smem:$0x3FB2] =	sst s0;
	s0 =	simm.s32 @!p1 $0x0  }
0x14: {  	s2 =	sld [smem:$0x3F96];
	s0 =	simm.s32 @p1 $0x1  }
0x15: {  	[smem:$0x3FB3] =	sst s0;
	s0 =	simm.s32 @!p2 $0x0  }
0x16: {  	s3 =	sld [smem:$0x3FDB];
	s0 =	simm.s32 @p2 $0x1  }
0x17: {  	s4 =	simm.s32 $0x1BF5;
	[smem:$0x3FB5] =	sst s0  }
0x18: {  	s0 =	sld [smem:$0x3F98];
	_ =	swait.ge [sflag:s4], $0x0  }
0x19: {  	s7 =	sld [smem:$0x3F99]  }
0x1a: {  	s8 =	sadd.s32 $0xFFFFE003, lr  }
0x1b: {  	s9 =	sadd.s32 $0xFFFFFEF7, lr;
	s5 =	simm.s32 $0xFFFFFFFF;
	p2 =	slt.u32 s8, $0xFFFFF086  }
0x1c: {  	p1 =	slt.u32 s9, $0xF7A;
	s5 =	simm.s32 @!p2 $0x0  }
0x1d: {  	s5 =	simm.s32 @p1 $0x1;
	p0 =	seq.s32 s7, s2  }
0x1e: {  	s7 =	smul.u32 @!p0 $0xF7A, s2;
	p2 =	seq.s32 @!p0 s5, $0x0  }
0x1f: {  	s9 =	smul.u32 $0xF7A, s1;
	s8 =	simm.s32 @!p0 $0x1BF5;
	p2 =	por !p2, p0  }
0x20: {  	[sflag:s8] =	ssyncset.s32 @!p0 $0xFFFFF086;
	s6 =	sadd.s32 @!p0 s3, s7;
	s7 =	simm.s32 @!p0 $0x108  }
0x21: {  	s3 =	sadd.s32 s3, s9;
	s6 =	sadd.s32 @!p0 $0x88, s6;
	s7 =	simm.s32 @p2 $0x1082  }
0x22: {  	[simem:s7], [sflag:s8] =	dma.local @!p0 [hbm:s6], $0xF7A  }
0x23: {  	s9 =	sor.u32 $0xD0000000, s2;
	s6 =	simm.s32 $0x108;
	_ =	swait.ge @!p0 [sflag:s8], $0x0  }
0x24: {  	s3 =	sadd.s32 $0x88, s3;
	s6 =	simm.s32 @!p1 $0x1082;
	[sflag:s4] =	ssyncset.s32 $0xFFFFF086  }
0x25: {  	[simem:s6], [sflag:s4] =	dma.local [hbm:s3], $0xF7A  }
0x26: {  	[smem:$0x3F99] =	sst s1;
	(tag) =	ssettag s2;
	_ =	strace s9  }
0x27: {  	s1 =	sld [smem:$0x3FA9]  }
0x28: {  	s2 =	sld [smem:$0x3FAA]  }
0x29: {  	s4 =	sld [smem:$0x3FAC]  }
0x2a: {  	p0 =	seq.s32 s5, $0x0;
	s5 =	sld [smem:$0x3FAD]  }
0x2b: {  	s6 =	sld [smem:$0x3FAE]  }
0x2c: {  	s7 =	sld [smem:$0x3FAF]  }
0x2d: {  	s3 =	simm.s32 $0x108;
	s8 =	sld [smem:$0x3FB0]  }
0x2e: {  	s3 =	simm.s32 @!p0 $0x1082;
	s9 =	sld [smem:$0x3FB1]  }
0x2f: {  	lr =	sadd.s32 s0, s3;
	s0 =	sld [smem:$0x3FA8]  }
0x30: {  	s3 =	sld [smem:$0x3FAB]  }
0x31: {  	[smem:$0x3FB4] =	sst s10  }
0x32: {  	s10 =	sld [smem:$0x3FB2];
	_ =	sdelay $0x3  }
0x33: {  	p0 =	seq.s32 s10, $0x1;
	s10 =	sld [smem:$0x3FB4];
	_ =	sdelay $0x3  }
0x34: {  	[smem:$0x3FB4] =	sst s10  }
0x35: {  	s10 =	sld [smem:$0x3FB3];
	_ =	sdelay $0x3  }
0x36: {  	p1 =	seq.s32 s10, $0x1;
	s10 =	sld [smem:$0x3FB4];
	_ =	sdelay $0x3  }
0x37: {  	[smem:$0x3FB4] =	sst s10  }
0x38: {  	s10 =	sld [smem:$0x3FB5]  }
0x39: {  	_ = 	snop;
	(pc) =	sbr.ind lr, $3  }
0x3a: {  	_ = 	snop  }
0x3b: {  	_ = 	snop  }
0x3c: {  	p2 =	seq.s32 s10, $0x1;
	s10 =	sld [smem:$0x3FB4]  }
0x3d: {  	_ =	shalt  }
0x3e: {  	_ =	shalt  }
0x3f: {  	_ =	shalt  }
0x40: {  	_ =	shalt  }
0x41: {  	_ =	shalt  }
0x42: {  	_ =	shalt  }
0x43: {  	_ =	shalt  }
0x44: {  	_ =	shalt  }
0x45: {  	_ =	shalt  }
0x46: {  	_ =	shalt  }
0x47: {  	_ =	shalt  }
0x48: {  	_ =	shalt  }
0x49: {  	_ =	shalt  }
0x4a: {  	_ =	shalt  }
0x4b: {  	_ =	shalt  }
0x4c: {  	_ =	shalt  }
0x4d: {  	_ =	shalt  }
0x4e: {  	_ =	shalt  }
0x4f: {  	_ =	shalt  }
0x50: {  	_ =	shalt  }
0x51: {  	_ =	shalt  }
0x52: {  	_ =	shalt  }
0x53: {  	_ =	shalt  }
0x54: {  	_ =	shalt  }
0x55: {  	_ =	shalt  }
0x56: {  	_ =	shalt  }
0x57: {  	_ =	shalt  }
0x58: {  	_ =	shalt  }
0x59: {  	_ =	shalt  }
0x5a: {  	_ =	shalt  }
0x5b: {  	_ =	shalt  }
0x5c: {  	_ =	shalt  }
0x5d: {  	_ =	shalt  }
0x5e: {  	_ =	shalt  }
0x5f: {  	_ =	shalt  }
0x60: {  	_ =	shalt  }
0x61: {  	_ =	shalt  }
0x62: {  	_ =	shalt  }
0x63: {  	_ =	shalt  }
0x64: {  	_ =	shalt  }
0x65: {  	_ =	shalt  }
0x66: {  	_ =	shalt  }
0x67: {  	_ =	shalt  }
0x68: {  	_ =	shalt  }
0x69: {  	_ =	shalt  }
0x6a: {  	_ =	shalt  }
0x6b: {  	_ =	shalt  }
0x6c: {  	_ =	shalt  }
0x6d: {  	_ =	shalt  }
0x6e: {  	_ =	shalt  }
0x6f: {  	_ =	shalt  }
0x70: {  	_ =	shalt  }
0x71: {  	_ =	shalt  }
0x72: {  	_ =	shalt  }
0x73: {  	_ =	shalt  }
0x74: {  	_ =	shalt  }
0x75: {  	_ =	shalt  }
0x76: {  	_ =	shalt  }
0x77: {  	_ =	shalt  }
0x78: {  	_ =	shalt  }
0x79: {  	_ =	shalt  }
0x7a: {  	_ =	shalt  }
0x7b: {  	_ =	shalt  }
0x7c: {  	_ =	shalt  }
0x7d: {  	_ =	shalt  }
0x7e: {  	_ =	shalt  }
0x7f: {  	_ =	shalt  }
0x80: {  	_ =	shalt  }
0x81: {  	_ =	shalt  }
0x82: {  	_ =	shalt  }
0x83: {  	_ =	shalt  }
0x84: {  	_ =	shalt  }
0x85: {  	_ =	shalt  }
0x86: {  	_ =	shalt  }
0x87: {  	_ =	shalt  }
.Lfunc_end0:
.L_simem_size_0:
called_computation_lowered:
.L_overlay_start_0:
0x88: {  	s2 =	sld [smem:$0x3FD9]  }
0x89: {  	s3 =	sld [smem:$0x3FFE];
	_ =	sdelay $0x1  }
0x8a: {  	s1 =	srdreg.scid  }
0x8b: {  	s0 =	sand.u32 $0x1, s1  }
0x8c: {  	s17 =	sshll.u32 s0, $0xA;
	s2 =	sadd.s32 s3, s2  }
0x8d: {  	s2 =	sadd.s32 s2, s17  }
0x8e: {  	[smem:$0x3FC0] =	sst s2  }
0x8f: {  	_ = 	snop  }
0x90: {  	s2 =	sld [smem:$0x3FD0];
	(tm) =	ssettm $0x1  }
0x91: {  	s18 =	sld [smem:$0x3FFB];
	_ =	sdelay $0x3  }
0x92: {  	_ =	strace s18  }
0x93: {  	s3 =	sld [smem:$0x3FFC];
	_ =	sdelay $0x3  }
0x94: {  	_ =	strace s3  }
0x95: {  	s3 =	sld [smem:$0x3FFD];
	_ =	sdelay $0x3  }
0x96: {  	_ =	strace s3  }
0x97: {  	_ =	strace $0x8FFFFFFF  }
0x98: {  	s19 =	sld [smem:$0x3FDB];
	_ =	sdelay $0x1  }
0x99: {  	s4 =	simm.s32 $_scs_section_size  }
0x9a: {  	s5 =	simm.s32 $_size__tile_overlayer_lowered;
	s6 =	simm.s32 $_tile_overlayer_lowered  }
0x9b: {  	s22 =	simm.s32 $0x1BFF;
	s21 =	sshll.u32 s6, $0x1;
	s3 =	sadd.s32 s4, s19  }
0x9c: {  	s7 =	simm.s32 $0x0;
	s20 =	sshll.u32 s5, $0x1;
	s5 =	sadd.s32 s21, s3  }
0x9d: {  	[timem:s7], [sflag:s22] =	dma.local [hbm:s5], s20  }
0x9e: {  	_ =	swait.ge [sflag:s22], s20  }
0x9f: {  	s4 =	ssub.s32 $0x0, s20;
	[sflag:s22] =	ssyncset.done $0x0  }
0xa0: {  	[sflag:s22] =	ssyncadd.s32 s4;
	_ =	sdelay $0x1  }
0xa1: {  	s23 =	simm.s32 $0x1B8B  }
0xa2: {  	_ =	swait.ge [sflag:s23], $0x1  }
0xa3: {  	[sflag:s23] =	ssyncset.done $0x0  }
0xa4: {  	s25 =	simm.s32 $0x1B8E;
	s24 =	sld [smem:$0x3FFE];
	[sflag:s23] =	ssyncadd.s32 $0xFFFFFFFF  }
0xa5: {  	s26 =	simm.s32 $execute0_lowered;
	[smem:$0x3FD2] =	sst s25  }
0xa6: {  	s5 =	sshll.u32 s26, $0x1;
	_ =	strace $0x80000046;
	[dreg:$0x1] =	wrdreg $0xFFFFFFFF  }
0xa7: {  	s28 =	simm.s32 $_size_execute0_lowered;
	s3 =	sadd.s32 s3, s5;
	[dreg:$0x0] =	wrdreg $0x0  }
0xa8: {  	s5 =	sshll.u32 s28, $0x1;
	[dreg:$0x2] =	wrdreg s3  }
0xa9: {  	[dreg:$0x3] =	wrdreg s5  }
0xaa: {  	[dreg:$0x4] =	wrdreg $0xC0  }
0xab: {  	_ =	task [dreg:s7], $0x5FFFF  }
0xac: {  	[dreg:$0x1] =	wrdreg $0xFFFFFFFF  }
0xad: {  	[dreg:$0x0] =	wrdreg $0x60  }
0xae: {  	[dreg:$0x2] =	wrdreg s2  }
0xaf: {  	[dreg:$0x3] =	wrdreg s24  }
0xb0: {  	[dreg:$0x4] =	wrdreg $0x132000  }
0xb1: {  	[dreg:$0x5] =	wrdreg $0x9  }
0xb2: {  	_ =	task.clear_ibuf [dreg:s7], $0x6FFFF;
	_ =	strace $0x90000046  }
0xb3: {  	s29 =	simm.s32 $0x9;
	_ =	strace $0x80000048  }
0xb4: {  	_ =	swait.ge [sflag:s29], $0x1  }
0xb5: {  	[sflag:s29] =	ssyncadd.s32 $0xFFFFFFFF  }
0xb6: {  	_ =	strace $0x90000048  }
0xb7: {  	_ =	sfence  }
0xb8: {  	s30 =	sld [smem:$0x0];
	_ =	sdelay $0x2  }
0xb9: {  	s31 =	sshll.u32 s1, $0xD;
	s1 =	sshrl.u32 s1, $0x2  }
0xba: {  	s3 =	sand.u32 $0x4000, s31;
	s1 =	sadd.s32 s1, s30  }
0xbb: {  	s0 =	sor.u32 s3, s0;
	s1 =	sshll.u32 s1, $0x11  }
0xbc: {  	s0 =	sor.u32 s1, s0  }
0xbd: {  	s0 =	sadd.s32 $0x8F2B, s0  }
0xbe: {  	[sflag:s0] =	ssyncadd.remote.s32 $0x1  }
0xbf: {  	_ =	sfence.sel $0xFFFF  }
0xc0: {  	[dreg:$0x0] =	wrdreg $0xFFFFFFFF;
	(pc) =	sbr.abs _section_cstart, $3  }
0xc1: {  	[dreg:$0x1] =	wrdreg $0xFFFFFFFF  }
0xc2: {  	_ =	task.clear_ibuf [dreg:s7], $0x2FFFF;
	_ =	strace $0x9FFFFFFF  }
0xc3: {  	(tm) =	ssettm $0x7FFFFFFF  }
tec
execute0_lowered:
.L_overlay_start_1:
0x0: {  	(tag) =	ssettag $0x1  }
0x1: {  	s0 =	rddreg [dreg:$0x0]  }
0x2: {  	s1 =	srdreg.scid;
	s5 =	rddreg [dreg:$0x1]  }
0x3: {  	s3 =	rddreg [dreg:$0x2];
	s2 =	stileid.u32;
	s4 =	simm.s32 $0x0  }
0x4: {  	s14 =	simm.s32 $0xD000;
	s15 =	simm.s32 $0x80;
	s16 =	simm.s32 $0xC800  }
0x5: {  	s17 =	simm.s32 $0x1;
	s6 =	sand.u32 $0x1, s1;
	s1 =	rddreg [dreg:$0x3]  }
0x6: {  	s18 =	simm.s32 $0x0;
	[smem:$0x7FF] =	sst s4;
	s9 =	smul.u32 $0xC400, s2  }
0x7: {  	s12 =	sadd.s32 $0x33000, s5;
	s7 =	sshll.u32 s6, $0x4;
	_ =	strace $0x80000047  }
0x8: {  	s8 =	ssub.s32 $0x2, s6;
	s11 =	smul.u32 $0xC4000, s6;
	s7 =	sor.u32 s2, s7  }
0x9: {  	s10 =	sshrl.u32 s8, $0x1;
	s28 =	sadd.s32 $0x6200, s9;
	s7 =	smul.u32 $0xC80, s7  }
0xa: {  	s13 =	ssub.s32 s8, s10;
	s29 =	sadd.s32 s9, s11;
	s31 =	sadd.s32 s11, s28  }
0xb: {  	s8 =	sadd.s32 s28, s3;
	s30 =	sshrl.u32 s29, $0x3;
	s10 =	sshrl.u32 s31, $0x3  }
0xc: {  	s11 =	smax.u32 s13, $0x1;
	s13 =	simm.s32 $0x6400;
	s7 =	sadd.s32 s7, s5  }
0xd: {  	s10 =	sadd.s32 s12, s10;
	s5 =	sadd.s32 $0x1A000, s7;
	s6 =	sadd.s32 $0x1000, s7  }
0xe: {  	v0 =	vimm.f32 $0.0e+00;
	s7 =	sadd.s32 s9, s3;
	s9 =	sadd.s32 s12, s30;
	s12 =	simm.s32 $0x2  }
.LBB2_1:
0xf: {  	[tilespmem:s4], [sflag:$0x2] =	stream.linear.gather [hbm4b:s5+s4], $0x6400, $0x38;
	[tilespmem:$0x1F600] =	vst v63  }
0x10: {  	_ =	swait.ge [sflag:s12], $0x6400  }
0x11: {  	[sflag:s12] =	ssyncset.done $0x0  }
0x12: {  	[sflag:s12] =	ssyncadd.s32 $0xFFFF9C00  }
0x13: {  	[tilespmem:s13], [sflag:$0x2] =	stream.linear.gather [hbm4b:s6+s4], $0x6400, $0x38;
	[tilespmem:$0x1F600] =	vst v63  }
0x14: {  	_ =	swait.ge [sflag:s12], $0x6400  }
0x15: {  	[sflag:s12] =	ssyncset.done $0x0  }
0x16: {  	s19 =	simm.s32 $0x40;
	s20 =	simm.s32 $0x0;
	[sflag:s12] =	ssyncadd.s32 $0xFFFF9C00  }
.LBB2_2:
0x17: {  	p0 =	sne.s32 s19, $0x187C0;
	[tilespmem:s20+$0xD000] =	vst v0;
	s20 =	smov.u32 s19;
	s19 =	sadd.s32 $0x40, s19  }
.Ltmp0:
0x18: {  	(pc) =	sbr.rel @p0 .LBB2_2-.Ltmp0, $2  }
0x19: {  	_ =	sdelay $0x2  }
0x1a: {  	s20 =	sshra.s32 s20, $0x2  }
0x1b: {  	[tilespmem:s20+$0xD000] =	vst v0  }
0x1c: {  	[spmem:s7] =	stream.linear.scatter [tilespmem:s14], [sflag:$0x2], $0x6200, $0x38;
	[tilespmem:$0x1F600] =	vst v63  }
0x1d: {  	_ =	swait.ge [sflag:s12], $0x6200  }
0x1e: {  	[sflag:s12] =	ssyncset.done $0x0  }
0x1f: {  	[sflag:s12] =	ssyncadd.s32 $0xFFFF9E00  }
0x20: {  	[spmem:s8] =	stream.linear.scatter [tilespmem:s14], [sflag:$0x2], $0x6200, $0x38;
	[tilespmem:$0x1F600] =	vst v63  }
0x21: {  	_ =	swait.ge [sflag:s12], $0x6200  }
0x22: {  	[sflag:s12] =	ssyncset.done $0x0  }
0x23: {  	[sflag:s12] =	ssyncadd.s32 $0xFFFF9E00  }
0x24: {  	s19 =	simm.s32 $0x0;
	[bflag:$0x0] =	sbarrier.arrive $0xFFFF  }
0x25: {  	[tilespmem:s16], [sflag:$0x1] =	stream.indirect.gather [hbm4b:s0+s15], $0x10, s19, s15, $0xb8;
	[tilespmem:$0x1F600] =	vst v63  }
0x26: {  	_ =	swait.ge [sflag:s17], $0x800  }
0x27: {  	[sflag:s17] =	ssyncset.done $0x0  }
0x28: {  	s31 =	simm.s32 $0x6400;
	[sflag:s17] =	ssyncadd.s32 $0xFFFFF800  }
0x29: {  	[spmem:s3] =	stream.indirect.scatter.add.f32 [tilespmem:s16], [sflag:$0x2], $0x10, s31, s15, $0xb8;
	[tilespmem:$0x1F600] =	vst v63  }
0x2a: {  	_ =	swait.ge [sflag:s12], $0x800  }
0x2b: {  	s20 =	simm.s32 $0x400;
	s19 =	simm.s32 $0x200;
	[sflag:s12] =	ssyncset.done $0x0  }
.LBB2_4:
0x2c: {  	s21 =	sshra.s32 s19, $0x2  }
0x2d: {  	[sflag:s12] =	ssyncadd.s32 $0xFFFFF800;
	s19 =	smov.u32 s20;
	s22 =	sadd.s32 $0x200, s20  }
0x2e: {  	[tilespmem:s16], [sflag:$0x1] =	stream.indirect.gather [hbm4b:s0+s15], $0x10, s21, s15, $0xb8;
	[tilespmem:$0x1F600] =	vst v63  }
0x2f: {  	p0 =	sne.s32 s20, $0x18E00;
	_ =	swait.ge [sflag:s17], $0x800  }
.Ltmp1:
0x30: {  	[sflag:s17] =	ssyncset.done $0x0;
	(pc) =	sbr.rel @p0 .LBB2_4-.Ltmp1, $4  }
0x31: {  	s20 =	sadd.s32 $0x6400, s21;
	[sflag:s17] =	ssyncadd.s32 $0xFFFFF800  }
0x32: {  	[spmem:s3] =	stream.indirect.scatter.add.f32 [tilespmem:s16], [sflag:$0x2], $0x10, s20, s15, $0xb8;
	[tilespmem:$0x1F600] =	vst v63  }
0x33: {  	_ =	swait.ge [sflag:s12], $0x800  }
0x34: {  	s20 =	smov.u32 s22;
	[sflag:s12] =	ssyncset.done $0x0  }
0x35: {  	s19 =	sshra.s32 s19, $0x2;
	[sflag:s12] =	ssyncadd.s32 $0xFFFFF800  }
0x36: {  	[tilespmem:s16], [sflag:$0x1] =	stream.indirect.gather [hbm4b:s0+s15], $0x10, s19, s15, $0xb8;
	[tilespmem:$0x1F600] =	vst v63  }
0x37: {  	_ =	swait.ge [sflag:s17], $0x800  }
0x38: {  	[sflag:s17] =	ssyncset.done $0x0  }
0x39: {  	s19 =	sadd.s32 $0x6400, s19;
	[sflag:s17] =	ssyncadd.s32 $0xFFFFF800  }
0x3a: {  	[spmem:s3] =	stream.indirect.scatter.add.f32 [tilespmem:s16], [sflag:$0x2], $0x10, s19, s15, $0xb8;
	[tilespmem:$0x1F600] =	vst v63  }
0x3b: {  	_ =	swait.ge [sflag:s12], $0x800  }
0x3c: {  	[sflag:s12] =	ssyncset.done $0x0  }
0x3d: {  	[sflag:s12] =	ssyncadd.s32 $0xFFFFF800  }
0x3e: {  	[bflag:$0x0] =	sbarrier.arrive $0xFFFF  }
0x3f: {  	[tilespmem:s14], [sflag:$0x2] =	stream.linear.gather [spmem:s7], $0x6200, $0x38;
	[tilespmem:$0x1F600] =	vst v63  }
0x40: {  	_ =	swait.ge [sflag:s12], $0x6200  }
0x41: {  	[sflag:s12] =	ssyncset.done $0x0  }
0x42: {  	[sflag:s12] =	ssyncadd.s32 $0xFFFF9E00  }
0x43: {  	[hbm4b:s9+s4] =	stream.linear.scatter [tilespmem:s14], [sflag:$0x2], $0x6200, $0x38;
	[tilespmem:$0x1F600] =	vst v63  }
0x44: {  	_ =	swait.ge [sflag:s12], $0x6200  }
0x45: {  	[sflag:s12] =	ssyncset.done $0x0  }
0x46: {  	[sflag:s12] =	ssyncadd.s32 $0xFFFF9E00  }
0x47: {  	[tilespmem:s14], [sflag:$0x2] =	stream.linear.gather [spmem:s8], $0x6200, $0x38;
	[tilespmem:$0x1F600] =	vst v63  }
0x48: {  	s18 =	sadd.s32 $0x1, s18;
	_ =	swait.ge [sflag:s12], $0x6200  }
0x49: {  	p0 =	sne.s32 s18, s11;
	[sflag:s12] =	ssyncset.done $0x0  }
.Ltmp2:
0x4a: {  	[sflag:s12] =	ssyncadd.s32 $0xFFFF9E00;
	(pc) =	sbr.rel @p0 .LBB2_1-.Ltmp2, $4  }
0x4b: {  	[hbm4b:s10+s4] =	stream.linear.scatter [tilespmem:s14], [sflag:$0x2], $0x6200, $0x38;
	[tilespmem:$0x1F600] =	vst v63  }
0x4c: {  	_ =	swait.ge [sflag:s12], $0x6200  }
0x4d: {  	[sflag:s12] =	ssyncset.done $0x0  }
0x4e: {  	[sflag:s12] =	ssyncadd.s32 $0xFFFF9E00  }
0x4f: {  	_ =	sfence.sel $0x180000  }
0x50: {  	[bflag:$0x0] =	sbarrier.arrive $0xFFFF  }
0x51: {  	p0 =	sne.s32 s2, $0x0;
	_ =	strace $0x90000047  }
0x52: {  	s0 =	sadd.s32 @!p0 $0x100000, s1;
	[bflag:$0x2] =	sbarrier.arrive $0xFFFF  }
0x53: {  	[sflag:s0] =	ssyncadd.tile.s32 @!p0 $0x1;
	_ =	shalt  }
.Lfunc_end2:
_tile_overlayer_lowered:
.L_overlay_start_2:
0x54: {  	(tag) =	ssettag $0x2  }
0x55: {  	s0 =	rddreg [dreg:$0x0];
	s2 =	stileid.u32  }
0x56: {  	s1 =	rddreg [dreg:$0x1];
	p0 =	sne.s32 s2, $0x0  }
0x57: {  	s3 =	rddreg [dreg:$0x2];
	[bflag:$0x3] =	sbarrier.arrive $0xFFFF;
	s2 =	simm.s32 @!p0 $0x1C02  }
0x58: {  	[timem:s3], [sflag:s2] =	dma.local @!p0 [hbm:s0], s1  }
0x59: {  	s0 =	simm.s32 @!p0 $0x2  }
0x5a: {  	_ =	swait.ge @!p0 [sflag:s0], s1  }
0x5b: {  	s1 =	ssub.s32 @!p0 $0x0, s1;
	[sflag:s0] =	ssyncset.done @!p0 $0x0  }
0x5c: {  	[sflag:s0] =	ssyncadd.s32 @!p0 s1  }
0x5d: {  	[bflag:$0x3] =	sbarrier.arrive $0xFFFF  }
0x5e: {  	_ =	shalt  }

// kernel: kernel.9.cloned.1.call-start
scs
__scs_entry_jumppad:
0x0: {  	(pc) =	sbr.rel $0x88, $3  }
0x1: {  	(tag) =	ssettag $0x0;
	lr =	simm.s32 $0x1  }
0x2: {  	[smem:$0x3F99] =	sst lr;
	_ =	strace $0xD0000000  }
0x3: {  	_ = 	snop  }
0x4: {  	_ = 	snop  }
0x5: {  	_ = 	snop  }
0x6: {  	_ = 	snop  }
0x7: {  	_ = 	snop  }
__scs_overlays_trampoline_lowered:
0x8: {  	[smem:$0x3FA8] =	sst s0  }
0x9: {  	[smem:$0x3FA9] =	sst s1  }
0xa: {  	[smem:$0x3FAA] =	sst s2  }
0xb: {  	[smem:$0x3FAB] =	sst s3  }
0xc: {  	[smem:$0x3FAC] =	sst s4  }
0xd: {  	[smem:$0x3FAD] =	sst s5  }
0xe: {  	[smem:$0x3FAE] =	sst s6  }
0xf: {  	[smem:$0x3FAF] =	sst s7  }
0x10: {  	[smem:$0x3FB0] =	sst s8  }
0x11: {  	[smem:$0x3FB1] =	sst s9;
	s0 =	simm.s32 @!p0 $0x0  }
0x12: {  	s1 =	sld [smem:$0x3F97];
	s0 =	simm.s32 @p0 $0x1  }
0x13: {  	[smem:$0x3FB2] =	sst s0;
	s0 =	simm.s32 @!p1 $0x0  }
0x14: {  	s2 =	sld [smem:$0x3F96];
	s0 =	simm.s32 @p1 $0x1  }
0x15: {  	[smem:$0x3FB3] =	sst s0;
	s0 =	simm.s32 @!p2 $0x0  }
0x16: {  	s3 =	sld [smem:$0x3FDB];
	s0 =	simm.s32 @p2 $0x1  }
0x17: {  	s4 =	simm.s32 $0x1BF5;
	[smem:$0x3FB5] =	sst s0  }
0x18: {  	s0 =	sld [smem:$0x3F98];
	_ =	swait.ge [sflag:s4], $0x0  }
0x19: {  	s7 =	sld [smem:$0x3F99]  }
0x1a: {  	s8 =	sadd.s32 $0xFFFFE003, lr  }
0x1b: {  	s9 =	sadd.s32 $0xFFFFFEF7, lr;
	s5 =	simm.s32 $0xFFFFFFFF;
	p2 =	slt.u32 s8, $0xFFFFF086  }
0x1c: {  	p1 =	slt.u32 s9, $0xF7A;
	s5 =	simm.s32 @!p2 $0x0  }
0x1d: {  	s5 =	simm.s32 @p1 $0x1;
	p0 =	seq.s32 s7, s2  }
0x1e: {  	s7 =	smul.u32 @!p0 $0xF7A, s2;
	p2 =	seq.s32 @!p0 s5, $0x0  }
0x1f: {  	s9 =	smul.u32 $0xF7A, s1;
	s8 =	simm.s32 @!p0 $0x1BF5;
	p2 =	por !p2, p0  }
0x20: {  	[sflag:s8] =	ssyncset.s32 @!p0 $0xFFFFF086;
	s6 =	sadd.s32 @!p0 s3, s7;
	s7 =	simm.s32 @!p0 $0x108  }
0x21: {  	s3 =	sadd.s32 s3, s9;
	s6 =	sadd.s32 @!p0 $0x88, s6;
	s7 =	simm.s32 @p2 $0x1082  }
0x22: {  	[simem:s7], [sflag:s8] =	dma.local @!p0 [hbm:s6], $0xF7A  }
0x23: {  	s9 =	sor.u32 $0xD0000000, s2;
	s6 =	simm.s32 $0x108;
	_ =	swait.ge @!p0 [sflag:s8], $0x0  }
0x24: {  	s3 =	sadd.s32 $0x88, s3;
	s6 =	simm.s32 @!p1 $0x1082;
	[sflag:s4] =	ssyncset.s32 $0xFFFFF086  }
0x25: {  	[simem:s6], [sflag:s4] =	dma.local [hbm:s3], $0xF7A  }
0x26: {  	[smem:$0x3F99] =	sst s1;
	(tag) =	ssettag s2;
	_ =	strace s9  }
0x27: {  	s1 =	sld [smem:$0x3FA9]  }
0x28: {  	s2 =	sld [smem:$0x3FAA]  }
0x29: {  	s4 =	sld [smem:$0x3FAC]  }
0x2a: {  	p0 =	seq.s32 s5, $0x0;
	s5 =	sld [smem:$0x3FAD]  }
0x2b: {  	s6 =	sld [smem:$0x3FAE]  }
0x2c: {  	s7 =	sld [smem:$0x3FAF]  }
0x2d: {  	s3 =	simm.s32 $0x108;
	s8 =	sld [smem:$0x3FB0]  }
0x2e: {  	s3 =	simm.s32 @!p0 $0x1082;
	s9 =	sld [smem:$0x3FB1]  }
0x2f: {  	lr =	sadd.s32 s0, s3;
	s0 =	sld [smem:$0x3FA8]  }
0x30: {  	s3 =	sld [smem:$0x3FAB]  }
0x31: {  	[smem:$0x3FB4] =	sst s10  }
0x32: {  	s10 =	sld [smem:$0x3FB2];
	_ =	sdelay $0x3  }
0x33: {  	p0 =	seq.s32 s10, $0x1;
	s10 =	sld [smem:$0x3FB4];
	_ =	sdelay $0x3  }
0x34: {  	[smem:$0x3FB4] =	sst s10  }
0x35: {  	s10 =	sld [smem:$0x3FB3];
	_ =	sdelay $0x3  }
0x36: {  	p1 =	seq.s32 s10, $0x1;
	s10 =	sld [smem:$0x3FB4];
	_ =	sdelay $0x3  }
0x37: {  	[smem:$0x3FB4] =	sst s10  }
0x38: {  	s10 =	sld [smem:$0x3FB5]  }
0x39: {  	_ = 	snop;
	(pc) =	sbr.ind lr, $3  }
0x3a: {  	_ = 	snop  }
0x3b: {  	_ = 	snop  }
0x3c: {  	p2 =	seq.s32 s10, $0x1;
	s10 =	sld [smem:$0x3FB4]  }
0x3d: {  	_ =	shalt  }
0x3e: {  	_ =	shalt  }
0x3f: {  	_ =	shalt  }
0x40: {  	_ =	shalt  }
0x41: {  	_ =	shalt  }
0x42: {  	_ =	shalt  }
0x43: {  	_ =	shalt  }
0x44: {  	_ =	shalt  }
0x45: {  	_ =	shalt  }
0x46: {  	_ =	shalt  }
0x47: {  	_ =	shalt  }
0x48: {  	_ =	shalt  }
0x49: {  	_ =	shalt  }
0x4a: {  	_ =	shalt  }
0x4b: {  	_ =	shalt  }
0x4c: {  	_ =	shalt  }
0x4d: {  	_ =	shalt  }
0x4e: {  	_ =	shalt  }
0x4f: {  	_ =	shalt  }
0x50: {  	_ =	shalt  }
0x51: {  	_ =	shalt  }
0x52: {  	_ =	shalt  }
0x53: {  	_ =	shalt  }
0x54: {  	_ =	shalt  }
0x55: {  	_ =	shalt  }
0x56: {  	_ =	shalt  }
0x57: {  	_ =	shalt  }
0x58: {  	_ =	shalt  }
0x59: {  	_ =	shalt  }
0x5a: {  	_ =	shalt  }
0x5b: {  	_ =	shalt  }
0x5c: {  	_ =	shalt  }
0x5d: {  	_ =	shalt  }
0x5e: {  	_ =	shalt  }
0x5f: {  	_ =	shalt  }
0x60: {  	_ =	shalt  }
0x61: {  	_ =	shalt  }
0x62: {  	_ =	shalt  }
0x63: {  	_ =	shalt  }
0x64: {  	_ =	shalt  }
0x65: {  	_ =	shalt  }
0x66: {  	_ =	shalt  }
0x67: {  	_ =	shalt  }
0x68: {  	_ =	shalt  }
0x69: {  	_ =	shalt  }
0x6a: {  	_ =	shalt  }
0x6b: {  	_ =	shalt  }
0x6c: {  	_ =	shalt  }
0x6d: {  	_ =	shalt  }
0x6e: {  	_ =	shalt  }
0x6f: {  	_ =	shalt  }
0x70: {  	_ =	shalt  }
0x71: {  	_ =	shalt  }
0x72: {  	_ =	shalt  }
0x73: {  	_ =	shalt  }
0x74: {  	_ =	shalt  }
0x75: {  	_ =	shalt  }
0x76: {  	_ =	shalt  }
0x77: {  	_ =	shalt  }
0x78: {  	_ =	shalt  }
0x79: {  	_ =	shalt  }
0x7a: {  	_ =	shalt  }
0x7b: {  	_ =	shalt  }
0x7c: {  	_ =	shalt  }
0x7d: {  	_ =	shalt  }
0x7e: {  	_ =	shalt  }
0x7f: {  	_ =	shalt  }
0x80: {  	_ =	shalt  }
0x81: {  	_ =	shalt  }
0x82: {  	_ =	shalt  }
0x83: {  	_ =	shalt  }
0x84: {  	_ =	shalt  }
0x85: {  	_ =	shalt  }
0x86: {  	_ =	shalt  }
0x87: {  	_ =	shalt  }
.Lfunc_end0:
.L_simem_size_0:
called_computation.1_lowered:
.L_overlay_start_0:
0x88: {  	s2 =	sld [smem:$0x3FD9]  }
0x89: {  	s3 =	sld [smem:$0x3FFE];
	_ =	sdelay $0x1  }
0x8a: {  	s1 =	srdreg.scid  }
0x8b: {  	s0 =	sand.u32 $0x1, s1  }
0x8c: {  	s17 =	sshll.u32 s0, $0xA;
	s2 =	sadd.s32 s3, s2  }
0x8d: {  	s2 =	sadd.s32 s2, s17  }
0x8e: {  	[smem:$0x3FC0] =	sst s2  }
0x8f: {  	_ = 	snop  }
0x90: {  	s2 =	sld [smem:$0x3FD0];
	(tm) =	ssettm $0x1  }
0x91: {  	s18 =	sld [smem:$0x3FFB];
	_ =	sdelay $0x3  }
0x92: {  	_ =	strace s18  }
0x93: {  	s3 =	sld [smem:$0x3FFC];
	_ =	sdelay $0x3  }
0x94: {  	_ =	strace s3  }
0x95: {  	s3 =	sld [smem:$0x3FFD];
	_ =	sdelay $0x3  }
0x96: {  	_ =	strace s3  }
0x97: {  	_ =	strace $0x8FFFFFFF  }
0x98: {  	s19 =	sld [smem:$0x3FDB];
	_ =	sdelay $0x1  }
0x99: {  	s4 =	simm.s32 $_scs_section_size  }
0x9a: {  	s5 =	simm.s32 $_size__tile_overlayer_lowered;
	s6 =	simm.s32 $_tile_overlayer_lowered  }
0x9b: {  	s22 =	simm.s32 $0x1BFF;
	s21 =	sshll.u32 s6, $0x1;
	s3 =	sadd.s32 s4, s19  }
0x9c: {  	s7 =	simm.s32 $0x0;
	s20 =	sshll.u32 s5, $0x1;
	s5 =	sadd.s32 s21, s3  }
0x9d: {  	[timem:s7], [sflag:s22] =	dma.local [hbm:s5], s20  }
0x9e: {  	_ =	swait.ge [sflag:s22], s20  }
0x9f: {  	s4 =	ssub.s32 $0x0, s20;
	[sflag:s22] =	ssyncset.done $0x0  }
0xa0: {  	[sflag:s22] =	ssyncadd.s32 s4;
	_ =	sdelay $0x1  }
0xa1: {  	s23 =	simm.s32 $0x1B8B  }
0xa2: {  	_ =	swait.ge [sflag:s23], $0x1  }
0xa3: {  	[sflag:s23] =	ssyncset.done $0x0  }
0xa4: {  	s25 =	simm.s32 $0x1B8E;
	s24 =	sld [smem:$0x3FFE];
	[sflag:s23] =	ssyncadd.s32 $0xFFFFFFFF  }
0xa5: {  	s26 =	simm.s32 $execute0_lowered;
	[smem:$0x3FD2] =	sst s25  }
0xa6: {  	s5 =	sshll.u32 s26, $0x1;
	_ =	strace $0x80000049;
	[dreg:$0x1] =	wrdreg $0xFFFFFFFF  }
0xa7: {  	s28 =	simm.s32 $_size_execute0_lowered;
	s3 =	sadd.s32 s3, s5;
	[dreg:$0x0] =	wrdreg $0x0  }
0xa8: {  	s5 =	sshll.u32 s28, $0x1;
	[dreg:$0x2] =	wrdreg s3  }
0xa9: {  	[dreg:$0x3] =	wrdreg s5  }
0xaa: {  	[dreg:$0x4] =	wrdreg $0xC0  }
0xab: {  	_ =	task [dreg:s7], $0x5FFFF  }
0xac: {  	[dreg:$0x1] =	wrdreg $0xFFFFFFFF  }
0xad: {  	[dreg:$0x0] =	wrdreg $0x60  }
0xae: {  	[dreg:$0x2] =	wrdreg s2  }
0xaf: {  	[dreg:$0x3] =	wrdreg s24  }
0xb0: {  	[dreg:$0x4] =	wrdreg $0x132000  }
0xb1: {  	[dreg:$0x5] =	wrdreg $0x9  }
0xb2: {  	_ =	task.clear_ibuf [dreg:s7], $0x6FFFF;
	_ =	strace $0x90000049  }
0xb3: {  	s29 =	simm.s32 $0x9;
	_ =	strace $0x8000004B  }
0xb4: {  	_ =	swait.ge [sflag:s29], $0x1  }
0xb5: {  	[sflag:s29] =	ssyncadd.s32 $0xFFFFFFFF  }
0xb6: {  	_ =	strace $0x9000004B  }
0xb7: {  	_ =	sfence  }
0xb8: {  	s30 =	sld [smem:$0x0];
	_ =	sdelay $0x2  }
0xb9: {  	s31 =	sshll.u32 s1, $0xD;
	s1 =	sshrl.u32 s1, $0x2  }
0xba: {  	s3 =	sand.u32 $0x4000, s31;
	s1 =	sadd.s32 s1, s30  }
0xbb: {  	s0 =	sor.u32 s3, s0;
	s1 =	sshll.u32 s1, $0x11  }
0xbc: {  	s0 =	sor.u32 s1, s0  }
0xbd: {  	s0 =	sadd.s32 $0x8F2B, s0  }
0xbe: {  	[sflag:s0] =	ssyncadd.remote.s32 $0x1  }
0xbf: {  	_ =	sfence.sel $0xFFFF  }
0xc0: {  	[dreg:$0x0] =	wrdreg $0xFFFFFFFF;
	(pc) =	sbr.abs _section_cstart, $3  }
0xc1: {  	[dreg:$0x1] =	wrdreg $0xFFFFFFFF  }
0xc2: {  	_ =	task.clear_ibuf [dreg:s7], $0x2FFFF;
	_ =	strace $0x9FFFFFFF  }
0xc3: {  	(tm) =	ssettm $0x7FFFFFFF  }
tec
execute0_lowered:
.L_overlay_start_1:
0x0: {  	(tag) =	ssettag $0x1  }
0x1: {  	s0 =	rddreg [dreg:$0x0]  }
0x2: {  	s1 =	srdreg.scid;
	s5 =	rddreg [dreg:$0x1]  }
0x3: {  	s3 =	rddreg [dreg:$0x2];
	s2 =	stileid.u32;
	s4 =	simm.s32 $0x0  }
0x4: {  	s14 =	simm.s32 $0xD000;
	s15 =	simm.s32 $0x80;
	s16 =	simm.s32 $0xC800  }
0x5: {  	s17 =	simm.s32 $0x1;
	s6 =	sand.u32 $0x1, s1;
	s1 =	rddreg [dreg:$0x3]  }
0x6: {  	s18 =	simm.s32 $0x0;
	[smem:$0x7FF] =	sst s4;
	s9 =	smul.u32 $0xC400, s2  }
0x7: {  	s12 =	sadd.s32 $0x2AE200, s5;
	s7 =	sshll.u32 s6, $0x4;
	_ =	strace $0x8000004A  }
0x8: {  	s8 =	ssub.s32 $0x2, s6;
	s11 =	smul.u32 $0xC4000, s6;
	s7 =	sor.u32 s2, s7  }
0x9: {  	s10 =	sshrl.u32 s8, $0x1;
	s28 =	sadd.s32 $0x6200, s9;
	s7 =	smul.u32 $0xC80, s7  }
0xa: {  	s13 =	ssub.s32 s8, s10;
	s29 =	sadd.s32 s9, s11;
	s31 =	sadd.s32 s11, s28  }
0xb: {  	s8 =	sadd.s32 s28, s3;
	s30 =	sshrl.u32 s29, $0x3;
	s10 =	sshrl.u32 s31, $0x3  }
0xc: {  	s11 =	smax.u32 s13, $0x1;
	s13 =	simm.s32 $0x6400;
	s7 =	sadd.s32 s7, s5  }
0xd: {  	s10 =	sadd.s32 s12, s10;
	s5 =	sadd.s32 $0x1A000, s7;
	s6 =	sadd.s32 $0x1000, s7  }
0xe: {  	v0 =	vimm.f32 $0.0e+00;
	s7 =	sadd.s32 s9, s3;
	s9 =	sadd.s32 s12, s30;
	s12 =	simm.s32 $0x2  }
.LBB2_1:
0xf: {  	[tilespmem:s4], [sflag:$0x2] =	stream.linear.gather [hbm4b:s5+s4], $0x6400, $0x38;
	[tilespmem:$0x1F600] =	vst v63  }
0x10: {  	_ =	swait.ge [sflag:s12], $0x6400  }
0x11: {  	[sflag:s12] =	ssyncset.done $0x0  }
0x12: {  	[sflag:s12] =	ssyncadd.s32 $0xFFFF9C00  }
0x13: {  	[tilespmem:s13], [sflag:$0x2] =	stream.linear.gather [hbm4b:s6+s4], $0x6400, $0x38;
	[tilespmem:$0x1F600] =	vst v63  }
0x14: {  	_ =	swait.ge [sflag:s12], $0x6400  }
0x15: {  	[sflag:s12] =	ssyncset.done $0x0  }
0x16: {  	s19 =	simm.s32 $0x40;
	s20 =	simm.s32 $0x0;
	[sflag:s12] =	ssyncadd.s32 $0xFFFF9C00  }
.LBB2_2:
0x17: {  	p0 =	sne.s32 s19, $0x187C0;
	[tilespmem:s20+$0xD000] =	vst v0;
	s20 =	smov.u32 s19;
	s19 =	sadd.s32 $0x40, s19  }
.Ltmp0:
0x18: {  	(pc) =	sbr.rel @p0 .LBB2_2-.Ltmp0, $2  }
0x19: {  	_ =	sdelay $0x2  }
0x1a: {  	s20 =	sshra.s32 s20, $0x2  }
0x1b: {  	[tilespmem:s20+$0xD000] =	vst v0  }
0x1c: {  	[spmem:s7] =	stream.linear.scatter [tilespmem:s14], [sflag:$0x2], $0x6200, $0x38;
	[tilespmem:$0x1F600] =	vst v63  }
0x1d: {  	_ =	swait.ge [sflag:s12], $0x6200  }
0x1e: {  	[sflag:s12] =	ssyncset.done $0x0  }
0x1f: {  	[sflag:s12] =	ssyncadd.s32 $0xFFFF9E00  }
0x20: {  	[spmem:s8] =	stream.linear.scatter [tilespmem:s14], [sflag:$0x2], $0x6200, $0x38;
	[tilespmem:$0x1F600] =	vst v63  }
0x21: {  	_ =	swait.ge [sflag:s12], $0x6200  }
0x22: {  	[sflag:s12] =	ssyncset.done $0x0  }
0x23: {  	[sflag:s12] =	ssyncadd.s32 $0xFFFF9E00  }
0x24: {  	s19 =	simm.s32 $0x0;
	[bflag:$0x0] =	sbarrier.arrive $0xFFFF  }
0x25: {  	[tilespmem:s16], [sflag:$0x1] =	stream.indirect.gather [hbm4b:s0+s15], $0x10, s19, s15, $0xb8;
	[tilespmem:$0x1F600] =	vst v63  }
0x26: {  	_ =	swait.ge [sflag:s17], $0x800  }
0x27: {  	[sflag:s17] =	ssyncset.done $0x0  }
0x28: {  	s31 =	simm.s32 $0x6400;
	[sflag:s17] =	ssyncadd.s32 $0xFFFFF800  }
0x29: {  	[spmem:s3] =	stream.indirect.scatter.add.f32 [tilespmem:s16], [sflag:$0x2], $0x10, s31, s15, $0xb8;
	[tilespmem:$0x1F600] =	vst v63  }
0x2a: {  	_ =	swait.ge [sflag:s12], $0x800  }
0x2b: {  	s20 =	simm.s32 $0x400;
	s19 =	simm.s32 $0x200;
	[sflag:s12] =	ssyncset.done $0x0  }
.LBB2_4:
0x2c: {  	s21 =	sshra.s32 s19, $0x2  }
0x2d: {  	[sflag:s12] =	ssyncadd.s32 $0xFFFFF800;
	s19 =	smov.u32 s20;
	s22 =	sadd.s32 $0x200, s20  }
0x2e: {  	[tilespmem:s16], [sflag:$0x1] =	stream.indirect.gather [hbm4b:s0+s15], $0x10, s21, s15, $0xb8;
	[tilespmem:$0x1F600] =	vst v63  }
0x2f: {  	p0 =	sne.s32 s20, $0x18E00;
	_ =	swait.ge [sflag:s17], $0x800  }
.Ltmp1:
0x30: {  	[sflag:s17] =	ssyncset.done $0x0;
	(pc) =	sbr.rel @p0 .LBB2_4-.Ltmp1, $4  }
0x31: {  	s20 =	sadd.s32 $0x6400, s21;
	[sflag:s17] =	ssyncadd.s32 $0xFFFFF800  }
0x32: {  	[spmem:s3] =	stream.indirect.scatter.add.f32 [tilespmem:s16], [sflag:$0x2], $0x10, s20, s15, $0xb8;
	[tilespmem:$0x1F600] =	vst v63  }
0x33: {  	_ =	swait.ge [sflag:s12], $0x800  }
0x34: {  	s20 =	smov.u32 s22;
	[sflag:s12] =	ssyncset.done $0x0  }
0x35: {  	s19 =	sshra.s32 s19, $0x2;
	[sflag:s12] =	ssyncadd.s32 $0xFFFFF800  }
0x36: {  	[tilespmem:s16], [sflag:$0x1] =	stream.indirect.gather [hbm4b:s0+s15], $0x10, s19, s15, $0xb8;
	[tilespmem:$0x1F600] =	vst v63  }
0x37: {  	_ =	swait.ge [sflag:s17], $0x800  }
0x38: {  	[sflag:s17] =	ssyncset.done $0x0  }
0x39: {  	s19 =	sadd.s32 $0x6400, s19;
	[sflag:s17] =	ssyncadd.s32 $0xFFFFF800  }
0x3a: {  	[spmem:s3] =	stream.indirect.scatter.add.f32 [tilespmem:s16], [sflag:$0x2], $0x10, s19, s15, $0xb8;
	[tilespmem:$0x1F600] =	vst v63  }
0x3b: {  	_ =	swait.ge [sflag:s12], $0x800  }
0x3c: {  	[sflag:s12] =	ssyncset.done $0x0  }
0x3d: {  	[sflag:s12] =	ssyncadd.s32 $0xFFFFF800  }
0x3e: {  	[bflag:$0x0] =	sbarrier.arrive $0xFFFF  }
0x3f: {  	[tilespmem:s14], [sflag:$0x2] =	stream.linear.gather [spmem:s7], $0x6200, $0x38;
	[tilespmem:$0x1F600] =	vst v63  }
0x40: {  	_ =	swait.ge [sflag:s12], $0x6200  }
0x41: {  	[sflag:s12] =	ssyncset.done $0x0  }
0x42: {  	[sflag:s12] =	ssyncadd.s32 $0xFFFF9E00  }
0x43: {  	[hbm4b:s9+s4] =	stream.linear.scatter [tilespmem:s14], [sflag:$0x2], $0x6200, $0x38;
	[tilespmem:$0x1F600] =	vst v63  }
0x44: {  	_ =	swait.ge [sflag:s12], $0x6200  }
0x45: {  	[sflag:s12] =	ssyncset.done $0x0  }
0x46: {  	[sflag:s12] =	ssyncadd.s32 $0xFFFF9E00  }
0x47: {  	[tilespmem:s14], [sflag:$0x2] =	stream.linear.gather [spmem:s8], $0x6200, $0x38;
	[tilespmem:$0x1F600] =	vst v63  }
0x48: {  	s18 =	sadd.s32 $0x1, s18;
	_ =	swait.ge [sflag:s12], $0x6200  }
0x49: {  	p0 =	sne.s32 s18, s11;
	[sflag:s12] =	ssyncset.done $0x0  }
.Ltmp2:
0x4a: {  	[sflag:s12] =	ssyncadd.s32 $0xFFFF9E00;
	(pc) =	sbr.rel @p0 .LBB2_1-.Ltmp2, $4  }
0x4b: {  	[hbm4b:s10+s4] =	stream.linear.scatter [tilespmem:s14], [sflag:$0x2], $0x6200, $0x38;
	[tilespmem:$0x1F600] =	vst v63  }
0x4c: {  	_ =	swait.ge [sflag:s12], $0x6200  }
0x4d: {  	[sflag:s12] =	ssyncset.done $0x0  }
0x4e: {  	[sflag:s12] =	ssyncadd.s32 $0xFFFF9E00  }
0x4f: {  	_ =	sfence.sel $0x180000  }
0x50: {  	[bflag:$0x0] =	sbarrier.arrive $0xFFFF  }
0x51: {  	p0 =	sne.s32 s2, $0x0;
	_ =	strace $0x9000004A  }
0x52: {  	s0 =	sadd.s32 @!p0 $0x100000, s1;
	[bflag:$0x2] =	sbarrier.arrive $0xFFFF  }
0x53: {  	[sflag:s0] =	ssyncadd.tile.s32 @!p0 $0x1;
	_ =	shalt  }
.Lfunc_end2:
_tile_overlayer_lowered:
.L_overlay_start_2:
0x54: {  	(tag) =	ssettag $0x2  }
0x55: {  	s0 =	rddreg [dreg:$0x0];
	s2 =	stileid.u32  }
0x56: {  	s1 =	rddreg [dreg:$0x1];
	p0 =	sne.s32 s2, $0x0  }
0x57: {  	s3 =	rddreg [dreg:$0x2];
	[bflag:$0x3] =	sbarrier.arrive $0xFFFF;
	s2 =	simm.s32 @!p0 $0x1C02  }
0x58: {  	[timem:s3], [sflag:s2] =	dma.local @!p0 [hbm:s0], s1  }
0x59: {  	s0 =	simm.s32 @!p0 $0x2  }
0x5a: {  	_ =	swait.ge @!p0 [sflag:s0], s1  }
0x5b: {  	s1 =	ssub.s32 @!p0 $0x0, s1;
	[sflag:s0] =	ssyncset.done @!p0 $0x0  }
0x5c: {  	[sflag:s0] =	ssyncadd.s32 @!p0 s1  }
0x5d: {  	[bflag:$0x3] =	sbarrier.arrive $0xFFFF  }
0x5e: {  	_ =	shalt  }

</sc_bundles>
